<compile_context>
chip_gen: v7x
topology: tpu7x:2x2x1
jax: 0.10.2.dev20260603
libtpu: 0.0.44.dev20260713+nightly
codegen_flags: <defaults>
</compile_context>

<pallas_src>
import functools

import jax
import jax.numpy as jnp
from jax import lax
from jax.experimental import pallas as pl
from jax.experimental.pallas import tpu as pltpu
from jax.experimental.pallas import tpu_sc as plsc

_NC = 2
_NS = 16
_NW = _NC * _NS


@functools.partial(jax.jit, static_argnums=(2, 3, 4, 5))
def _sc_gather(table, idx, B, D, C, NBUF):
    b_per_w = B // _NW
    n_chunks = b_per_w // C
    mesh = plsc.VectorSubcoreMesh(core_axis_name="c", subcore_axis_name="s")

    @functools.partial(
        pl.kernel,
        out_type=jax.ShapeDtypeStruct((B, D), jnp.float32),
        mesh=mesh,
        scratch_types=[
            pltpu.VMEM((b_per_w,), jnp.int32),
            pltpu.VMEM((NBUF, C, D), jnp.float32),
            pltpu.SemaphoreType.DMA((NBUF,)),
            pltpu.SemaphoreType.DMA((NBUF,)),
        ],
    )
    def k(table_hbm, idx_hbm, out_hbm, idx_v, rows_v, gsem, osem):
        wid = lax.axis_index("s") * _NC + lax.axis_index("c")
        base = wid * b_per_w
        pltpu.sync_copy(idx_hbm.at[pl.ds(base, b_per_w)], idx_v)

        def start_gather(g, b):
            return pltpu.async_copy(
                table_hbm.at[idx_v.at[pl.ds(g * C, C)]], rows_v.at[b],
                gsem.at[b])

        def start_out(g, b):
            return pltpu.async_copy(
                rows_v.at[b], out_hbm.at[pl.ds(base + g * C, C)], osem.at[b])

        hg = [start_gather(b, b) for b in range(min(NBUF, n_chunks))]
        ho = [None] * NBUF
        for g in range(n_chunks):
            b = g % NBUF
            hg[b].wait()
            ho[b] = start_out(g, b)
            if g + NBUF < n_chunks:
                ho[b].wait()
                hg[b] = start_gather(g + NBUF, b)
        for g in range(max(0, n_chunks - NBUF), n_chunks):
            ho[g % NBUF].wait()

    return k(table, idx)


def kernel(molatom_thing, real_atoms):
    m, a = molatom_thing.shape[0], molatom_thing.shape[1]
    rest = molatom_thing.shape[2:]
    d = rest[0]
    table = molatom_thing.reshape(m * a, d)
    idx = real_atoms.astype(jnp.int32)
    B = idx.shape[0]
    return _sc_gather(table, idx, B, d, 256, 3)

# --- scband reference (transcript-rebuilt; emitter-appended) ---
"""Pipeline reference for scband-atom-re-indexer-80719615361740 (READ-ONLY COPY).

The authoritative reference and input builder live on the scoring server;
editing this copy changes nothing except your own understanding.
"""

import jax, jax.numpy as jnp
import numpy as np


def setup_inputs(seed: int = 0) -> dict:
    key = jax.random.key(seed)
    k1, k2 = jax.random.split(key)
    molatom_thing = jax.random.normal(k1, (4096, 64, 128), dtype=jnp.float32)
    real_atoms = jax.random.randint(k2, (131072,), 0, 262144, dtype=jnp.int64 if jax.config.jax_enable_x64 else jnp.int32)
    return {"molatom_thing": molatom_thing, "real_atoms": real_atoms}


def reference(molatom_thing, real_atoms):
    m, a = molatom_thing.shape[0], molatom_thing.shape[1]
    rest = molatom_thing.shape[2:]
    flat = molatom_thing.reshape((m * a,) + tuple(rest))
    out = jnp.take(flat, real_atoms, axis=0)
    if len(rest) == 0:
        out = out[:, None]
    return out

if __name__ == "__main__":
    import jax
    _d = setup_inputs()
    print(jax.jit(kernel)(*tuple(_d.values())))

</pallas_src>

<mosaic_0001>
#map = affine_map<(d0, d1) -> (0, 0)>
#map1 = affine_map<(d0, d1) -> (0)>
module attributes {stable_mosaic.version = 14 : i64} {
  func.func @k(%arg0: i32, %arg1: i32, %arg2: memref<262144x128xf32, #tpu.memory_space<hbm>>, %arg3: memref<131072xi32, #tpu.memory_space<hbm>>, %arg4: memref<131072x128xf32, #tpu.memory_space<hbm>>, %arg5: memref<4096xi32, #tpu.memory_space<vmem>>, %arg6: memref<3x256x128xf32, #tpu.memory_space<vmem>>, %arg7: memref<3x!tpu.dma_semaphore, #tpu.memory_space<semaphore_mem>>, %arg8: memref<3x!tpu.dma_semaphore, #tpu.memory_space<semaphore_mem>>) attributes {dimension_semantics = [#tpu.dimension_semantics<core_parallel>, #tpu.dimension_semantics<subcore_parallel>], iteration_bounds = array<i64: 2, 16>, scalar_prefetch = 0 : i64, scratch_operands = 4 : i64, tpu.core_type = #tpu.core_type<sc_vector_subcore>, window_params = [{transform_indices = #map}, {transform_indices = #map1}, {transform_indices = #map}]} {
    %mul3A = arith.constant 2 : i32
    %mul3A_0 = arith.muli %arg1, %mul3A : i32
    %add3A = arith.addi %mul3A_0, %arg0 : i32
    %mul3A_1 = arith.constant 4096 : i32
    %mul3A_2 = arith.muli %add3A, %mul3A_1 : i32
    "tpu.region"() ({
      %run_scoped3A = tpu.sem_alloc : memref<!tpu.dma_semaphore, #tpu.memory_space<semaphore_mem>>
      %dma_start3A_961 = tpu.memref_slice %arg3[%mul3A_2] : memref<131072xi32, #tpu.memory_space<hbm>> -> memref<4096xi32, #tpu.memory_space<hbm>>
      %dma_start3A_962 = tpu.memref_slice %arg3[%mul3A_2] : memref<131072xi32, #tpu.memory_space<hbm>> -> memref<4096xi32, #tpu.memory_space<hbm>>
      tpu.enqueue_dma source(%dma_start3A_962 : memref<4096xi32, #tpu.memory_space<hbm>>) target(%arg5 : memref<4096xi32, #tpu.memory_space<vmem>>) target_semaphore(%run_scoped3A : memref<!tpu.dma_semaphore, #tpu.memory_space<semaphore_mem>>)
      %dma_wait3A_963 = tpu.memref_slice %arg3[%mul3A_2] : memref<131072xi32, #tpu.memory_space<hbm>> -> memref<4096xi32, #tpu.memory_space<hbm>>
      %dma_wait3A_964 = tpu.memref_slice %arg3[%mul3A_2] : memref<131072xi32, #tpu.memory_space<hbm>> -> memref<4096xi32, #tpu.memory_space<hbm>>
      tpu.wait_dma2 semaphore(%run_scoped3A : memref<!tpu.dma_semaphore, #tpu.memory_space<semaphore_mem>>) src(%dma_wait3A_964 : memref<4096xi32, #tpu.memory_space<hbm>>) dst(%arg5 : memref<4096xi32, #tpu.memory_space<vmem>>)
      tpu.yield
    }) : () -> ()
    %dma_start3A = arith.constant 0 : i32
    %dma_start3A_3 = arith.constant 0 : i32
    %dma_start3A_4 = arith.constant 0 : i32
    %dma_start3A_5 = arith.constant 0 : i32
    %dma_start3A_6 = tpu.memref_slice %arg6[%dma_start3A, %dma_start3A_4, %dma_start3A_5] : memref<3x256x128xf32, #tpu.memory_space<vmem>> -> memref<1x256x128xf32, #tpu.memory_space<vmem>>
    %dma_start3A_7 = tpu.memref_squeeze %dma_start3A_6 : memref<1x256x128xf32, #tpu.memory_space<vmem>> -> memref<256x128xf32, #tpu.memory_space<vmem>>
    %dma_start3A_8 = arith.constant 0 : i32
    %dma_start3A_9 = tpu.memref_slice %arg5[%dma_start3A_8] : memref<4096xi32, #tpu.memory_space<vmem>> -> memref<256xi32, #tpu.memory_space<vmem>>
    %dma_start3A_10 = arith.constant 0 : i32
    %dma_start3A_11 = arith.constant 0 : i32
    %dma_start3A_12 = tpu.memref_slice %arg2[%dma_start3A_10, %dma_start3A_11] : memref<262144x128xf32, #tpu.memory_space<hbm>> -> memref<262144x128xf32, #tpu.memory_space<hbm>>
    %dma_start3A_13 = tpu.memref_slice %arg7[%dma_start3A_3] : memref<3x!tpu.dma_semaphore, #tpu.memory_space<semaphore_mem>> -> memref<1x!tpu.dma_semaphore, #tpu.memory_space<semaphore_mem>>
    %dma_start3A_14 = tpu.memref_squeeze %dma_start3A_13 : memref<1x!tpu.dma_semaphore, #tpu.memory_space<semaphore_mem>> -> memref<!tpu.dma_semaphore, #tpu.memory_space<semaphore_mem>>
    tpu.enqueue_indirect_dma source(%dma_start3A_12 : memref<262144x128xf32, #tpu.memory_space<hbm>>) target(%dma_start3A_7 : memref<256x128xf32, #tpu.memory_space<vmem>>) offsets(%dma_start3A_9 : memref<256xi32, #tpu.memory_space<vmem>>) semaphore(%dma_start3A_14 : memref<!tpu.dma_semaphore, #tpu.memory_space<semaphore_mem>>)
    %dma_start3A_15 = arith.constant 1 : i32
    %dma_start3A_16 = arith.constant 1 : i32
    %dma_start3A_17 = arith.constant 0 : i32
    %dma_start3A_18 = arith.constant 0 : i32
    %dma_start3A_19 = tpu.memref_slice %arg6[%dma_start3A_15, %dma_start3A_17, %dma_start3A_18] : memref<3x256x128xf32, #tpu.memory_space<vmem>> -> memref<1x256x128xf32, #tpu.memory_space<vmem>>
    %dma_start3A_20 = tpu.memref_squeeze %dma_start3A_19 : memref<1x256x128xf32, #tpu.memory_space<vmem>> -> memref<256x128xf32, #tpu.memory_space<vmem>>
    %dma_start3A_21 = arith.constant 256 : i32
    %dma_start3A_22 = tpu.memref_slice %arg5[%dma_start3A_21] : memref<4096xi32, #tpu.memory_space<vmem>> -> memref<256xi32, #tpu.memory_space<vmem>>
    %dma_start3A_23 = arith.constant 0 : i32
    %dma_start3A_24 = arith.constant 0 : i32
    %dma_start3A_25 = tpu.memref_slice %arg2[%dma_start3A_23, %dma_start3A_24] : memref<262144x128xf32, #tpu.memory_space<hbm>> -> memref<262144x128xf32, #tpu.memory_space<hbm>>
    %dma_start3A_26 = tpu.memref_slice %arg7[%dma_start3A_16] : memref<3x!tpu.dma_semaphore, #tpu.memory_space<semaphore_mem>> -> memref<1x!tpu.dma_semaphore, #tpu.memory_space<semaphore_mem>>
    %dma_start3A_27 = tpu.memref_squeeze %dma_start3A_26 : memref<1x!tpu.dma_semaphore, #tpu.memory_space<semaphore_mem>> -> memref<!tpu.dma_semaphore, #tpu.memory_space<semaphore_mem>>
    tpu.enqueue_indirect_dma source(%dma_start3A_25 : memref<262144x128xf32, #tpu.memory_space<hbm>>) target(%dma_start3A_20 : memref<256x128xf32, #tpu.memory_space<vmem>>) offsets(%dma_start3A_22 : memref<256xi32, #tpu.memory_space<vmem>>) semaphore(%dma_start3A_27 : memref<!tpu.dma_semaphore, #tpu.memory_space<semaphore_mem>>)
    %dma_start3A_28 = arith.constant 2 : i32
    %dma_start3A_29 = arith.constant 2 : i32
    %dma_start3A_30 = arith.constant 0 : i32
    %dma_start3A_31 = arith.constant 0 : i32
    %dma_start3A_32 = tpu.memref_slice %arg6[%dma_start3A_28, %dma_start3A_30, %dma_start3A_31] : memref<3x256x128xf32, #tpu.memory_space<vmem>> -> memref<1x256x128xf32, #tpu.memory_space<vmem>>
    %dma_start3A_33 = tpu.memref_squeeze %dma_start3A_32 : memref<1x256x128xf32, #tpu.memory_space<vmem>> -> memref<256x128xf32, #tpu.memory_space<vmem>>
    %dma_start3A_34 = arith.constant 512 : i32
    %dma_start3A_35 = tpu.memref_slice %arg5[%dma_start3A_34] : memref<4096xi32, #tpu.memory_space<vmem>> -> memref<256xi32, #tpu.memory_space<vmem>>
    %dma_start3A_36 = arith.constant 0 : i32
    %dma_start3A_37 = arith.constant 0 : i32
    %dma_start3A_38 = tpu.memref_slice %arg2[%dma_start3A_36, %dma_start3A_37] : memref<262144x128xf32, #tpu.memory_space<hbm>> -> memref<262144x128xf32, #tpu.memory_space<hbm>>
    %dma_start3A_39 = tpu.memref_slice %arg7[%dma_start3A_29] : memref<3x!tpu.dma_semaphore, #tpu.memory_space<semaphore_mem>> -> memref<1x!tpu.dma_semaphore, #tpu.memory_space<semaphore_mem>>
    %dma_start3A_40 = tpu.memref_squeeze %dma_start3A_39 : memref<1x!tpu.dma_semaphore, #tpu.memory_space<semaphore_mem>> -> memref<!tpu.dma_semaphore, #tpu.memory_space<semaphore_mem>>
    tpu.enqueue_indirect_dma source(%dma_start3A_38 : memref<262144x128xf32, #tpu.memory_space<hbm>>) target(%dma_start3A_33 : memref<256x128xf32, #tpu.memory_space<vmem>>) offsets(%dma_start3A_35 : memref<256xi32, #tpu.memory_space<vmem>>) semaphore(%dma_start3A_40 : memref<!tpu.dma_semaphore, #tpu.memory_space<semaphore_mem>>)
    %dma_wait3A = arith.constant 0 : i32
    %dma_wait3A_41 = arith.constant 0 : i32
    %dma_wait3A_42 = arith.constant 0 : i32
    %dma_wait3A_43 = arith.constant 0 : i32
    %dma_wait3A_44 = tpu.memref_slice %arg6[%dma_wait3A, %dma_wait3A_42, %dma_wait3A_43] : memref<3x256x128xf32, #tpu.memory_space<vmem>> -> memref<1x256x128xf32, #tpu.memory_space<vmem>>
    %dma_wait3A_45 = tpu.memref_squeeze %dma_wait3A_44 : memref<1x256x128xf32, #tpu.memory_space<vmem>> -> memref<256x128xf32, #tpu.memory_space<vmem>>
    %dma_wait3A_46 = arith.constant 0 : i32
    %dma_wait3A_47 = tpu.memref_slice %arg5[%dma_wait3A_46] : memref<4096xi32, #tpu.memory_space<vmem>> -> memref<256xi32, #tpu.memory_space<vmem>>
    %dma_wait3A_48 = arith.constant 0 : i32
    %dma_wait3A_49 = arith.constant 0 : i32
    %dma_wait3A_50 = tpu.memref_slice %arg2[%dma_wait3A_48, %dma_wait3A_49] : memref<262144x128xf32, #tpu.memory_space<hbm>> -> memref<262144x128xf32, #tpu.memory_space<hbm>>
    %dma_wait3A_51 = tpu.memref_slice %arg7[%dma_wait3A_41] : memref<3x!tpu.dma_semaphore, #tpu.memory_space<semaphore_mem>> -> memref<1x!tpu.dma_semaphore, #tpu.memory_space<semaphore_mem>>
    %dma_wait3A_52 = tpu.memref_squeeze %dma_wait3A_51 : memref<1x!tpu.dma_semaphore, #tpu.memory_space<semaphore_mem>> -> memref<!tpu.dma_semaphore, #tpu.memory_space<semaphore_mem>>
    tpu.wait_indirect_dma semaphore(%dma_wait3A_52 : memref<!tpu.dma_semaphore, #tpu.memory_space<semaphore_mem>>) src(%dma_wait3A_50 : memref<262144x128xf32, #tpu.memory_space<hbm>>) dst(%dma_wait3A_45 : memref<256x128xf32, #tpu.memory_space<vmem>>)
    %add3A_53 = arith.constant 0 : i32
    %add3A_54 = arith.addi %mul3A_2, %add3A_53 : i32
    %dma_start3A_55 = arith.constant 0 : i32
    %dma_start3A_56 = arith.constant 0 : i32
    %dma_start3A_57 = arith.constant 0 : i32
    %dma_start3A_58 = arith.constant 0 : i32
    %dma_start3A_59 = tpu.memref_slice %arg6[%dma_start3A_55, %dma_start3A_57, %dma_start3A_58] : memref<3x256x128xf32, #tpu.memory_space<vmem>> -> memref<1x256x128xf32, #tpu.memory_space<vmem>>
    %dma_start3A_60 = tpu.memref_squeeze %dma_start3A_59 : memref<1x256x128xf32, #tpu.memory_space<vmem>> -> memref<256x128xf32, #tpu.memory_space<vmem>>
    %dma_start3A_61 = arith.constant 0 : i32
    %dma_start3A_62 = tpu.memref_slice %arg4[%add3A_54, %dma_start3A_61] : memref<131072x128xf32, #tpu.memory_space<hbm>> -> memref<256x128xf32, #tpu.memory_space<hbm>>
    %dma_start3A_63 = tpu.memref_slice %arg8[%dma_start3A_56] : memref<3x!tpu.dma_semaphore, #tpu.memory_space<semaphore_mem>> -> memref<1x!tpu.dma_semaphore, #tpu.memory_space<semaphore_mem>>
    %dma_start3A_64 = tpu.memref_squeeze %dma_start3A_63 : memref<1x!tpu.dma_semaphore, #tpu.memory_space<semaphore_mem>> -> memref<!tpu.dma_semaphore, #tpu.memory_space<semaphore_mem>>
    %dma_start3A_65 = arith.constant 0 : i32
    %dma_start3A_66 = tpu.memref_slice %arg4[%add3A_54, %dma_start3A_65] : memref<131072x128xf32, #tpu.memory_space<hbm>> -> memref<256x128xf32, #tpu.memory_space<hbm>>
    %dma_start3A_67 = arith.constant 0 : i32
    %dma_start3A_68 = arith.constant 0 : i32
    %dma_start3A_69 = tpu.memref_slice %arg6[%dma_start3A_55, %dma_start3A_67, %dma_start3A_68] : memref<3x256x128xf32, #tpu.memory_space<vmem>> -> memref<1x256x128xf32, #tpu.memory_space<vmem>>
    %dma_start3A_70 = tpu.memref_squeeze %dma_start3A_69 : memref<1x256x128xf32, #tpu.memory_space<vmem>> -> memref<256x128xf32, #tpu.memory_space<vmem>>
    tpu.enqueue_dma source(%dma_start3A_70 : memref<256x128xf32, #tpu.memory_space<vmem>>) target(%dma_start3A_66 : memref<256x128xf32, #tpu.memory_space<hbm>>) target_semaphore(%dma_start3A_64 : memref<!tpu.dma_semaphore, #tpu.memory_space<semaphore_mem>>)
    %dma_wait3A_71 = arith.constant 0 : i32
    %dma_wait3A_72 = arith.constant 0 : i32
    %dma_wait3A_73 = arith.constant 0 : i32
    %dma_wait3A_74 = arith.constant 0 : i32
    %dma_wait3A_75 = tpu.memref_slice %arg6[%dma_wait3A_71, %dma_wait3A_73, %dma_wait3A_74] : memref<3x256x128xf32, #tpu.memory_space<vmem>> -> memref<1x256x128xf32, #tpu.memory_space<vmem>>
    %dma_wait3A_76 = tpu.memref_squeeze %dma_wait3A_75 : memref<1x256x128xf32, #tpu.memory_space<vmem>> -> memref<256x128xf32, #tpu.memory_space<vmem>>
    %dma_wait3A_77 = arith.constant 0 : i32
    %dma_wait3A_78 = tpu.memref_slice %arg4[%add3A_54, %dma_wait3A_77] : memref<131072x128xf32, #tpu.memory_space<hbm>> -> memref<256x128xf32, #tpu.memory_space<hbm>>
    %dma_wait3A_79 = tpu.memref_slice %arg8[%dma_wait3A_72] : memref<3x!tpu.dma_semaphore, #tpu.memory_space<semaphore_mem>> -> memref<1x!tpu.dma_semaphore, #tpu.memory_space<semaphore_mem>>
    %dma_wait3A_80 = tpu.memref_squeeze %dma_wait3A_79 : memref<1x!tpu.dma_semaphore, #tpu.memory_space<semaphore_mem>> -> memref<!tpu.dma_semaphore, #tpu.memory_space<semaphore_mem>>
    %dma_wait3A_81 = arith.constant 0 : i32
    %dma_wait3A_82 = tpu.memref_slice %arg4[%add3A_54, %dma_wait3A_81] : memref<131072x128xf32, #tpu.memory_space<hbm>> -> memref<256x128xf32, #tpu.memory_space<hbm>>
    %dma_wait3A_83 = arith.constant 0 : i32
    %dma_wait3A_84 = arith.constant 0 : i32
    %dma_wait3A_85 = tpu.memref_slice %arg6[%dma_wait3A_71, %dma_wait3A_83, %dma_wait3A_84] : memref<3x256x128xf32, #tpu.memory_space<vmem>> -> memref<1x256x128xf32, #tpu.memory_space<vmem>>
    %dma_wait3A_86 = tpu.memref_squeeze %dma_wait3A_85 : memref<1x256x128xf32, #tpu.memory_space<vmem>> -> memref<256x128xf32, #tpu.memory_space<vmem>>
    tpu.wait_dma2 semaphore(%dma_wait3A_80 : memref<!tpu.dma_semaphore, #tpu.memory_space<semaphore_mem>>) src(%dma_wait3A_86 : memref<256x128xf32, #tpu.memory_space<vmem>>) dst(%dma_wait3A_82 : memref<256x128xf32, #tpu.memory_space<hbm>>)
    %dma_start3A_87 = arith.constant 0 : i32
    %dma_start3A_88 = arith.constant 0 : i32
    %dma_start3A_89 = arith.constant 0 : i32
    %dma_start3A_90 = arith.constant 0 : i32
    %dma_start3A_91 = tpu.memref_slice %arg6[%dma_start3A_87, %dma_start3A_89, %dma_start3A_90] : memref<3x256x128xf32, #tpu.memory_space<vmem>> -> memref<1x256x128xf32, #tpu.memory_space<vmem>>
    %dma_start3A_92 = tpu.memref_squeeze %dma_start3A_91 : memref<1x256x128xf32, #tpu.memory_space<vmem>> -> memref<256x128xf32, #tpu.memory_space<vmem>>
    %dma_start3A_93 = arith.constant 768 : i32
    %dma_start3A_94 = tpu.memref_slice %arg5[%dma_start3A_93] : memref<4096xi32, #tpu.memory_space<vmem>> -> memref<256xi32, #tpu.memory_space<vmem>>
    %dma_start3A_95 = arith.constant 0 : i32
    %dma_start3A_96 = arith.constant 0 : i32
    %dma_start3A_97 = tpu.memref_slice %arg2[%dma_start3A_95, %dma_start3A_96] : memref<262144x128xf32, #tpu.memory_space<hbm>> -> memref<262144x128xf32, #tpu.memory_space<hbm>>
    %dma_start3A_98 = tpu.memref_slice %arg7[%dma_start3A_88] : memref<3x!tpu.dma_semaphore, #tpu.memory_space<semaphore_mem>> -> memref<1x!tpu.dma_semaphore, #tpu.memory_space<semaphore_mem>>
    %dma_start3A_99 = tpu.memref_squeeze %dma_start3A_98 : memref<1x!tpu.dma_semaphore, #tpu.memory_space<semaphore_mem>> -> memref<!tpu.dma_semaphore, #tpu.memory_space<semaphore_mem>>
    tpu.enqueue_indirect_dma source(%dma_start3A_97 : memref<262144x128xf32, #tpu.memory_space<hbm>>) target(%dma_start3A_92 : memref<256x128xf32, #tpu.memory_space<vmem>>) offsets(%dma_start3A_94 : memref<256xi32, #tpu.memory_space<vmem>>) semaphore(%dma_start3A_99 : memref<!tpu.dma_semaphore, #tpu.memory_space<semaphore_mem>>)
    %dma_wait3A_100 = arith.constant 1 : i32
    %dma_wait3A_101 = arith.constant 1 : i32
    %dma_wait3A_102 = arith.constant 0 : i32
    %dma_wait3A_103 = arith.constant 0 : i32
    %dma_wait3A_104 = tpu.memref_slice %arg6[%dma_wait3A_100, %dma_wait3A_102, %dma_wait3A_103] : memref<3x256x128xf32, #tpu.memory_space<vmem>> -> memref<1x256x128xf32, #tpu.memory_space<vmem>>
    %dma_wait3A_105 = tpu.memref_squeeze %dma_wait3A_104 : memref<1x256x128xf32, #tpu.memory_space<vmem>> -> memref<256x128xf32, #tpu.memory_space<vmem>>
    %dma_wait3A_106 = arith.constant 256 : i32
    %dma_wait3A_107 = tpu.memref_slice %arg5[%dma_wait3A_106] : memref<4096xi32, #tpu.memory_space<vmem>> -> memref<256xi32, #tpu.memory_space<vmem>>
    %dma_wait3A_108 = arith.constant 0 : i32
    %dma_wait3A_109 = arith.constant 0 : i32
    %dma_wait3A_110 = tpu.memref_slice %arg2[%dma_wait3A_108, %dma_wait3A_109] : memref<262144x128xf32, #tpu.memory_space<hbm>> -> memref<262144x128xf32, #tpu.memory_space<hbm>>
    %dma_wait3A_111 = tpu.memref_slice %arg7[%dma_wait3A_101] : memref<3x!tpu.dma_semaphore, #tpu.memory_space<semaphore_mem>> -> memref<1x!tpu.dma_semaphore, #tpu.memory_space<semaphore_mem>>
    %dma_wait3A_112 = tpu.memref_squeeze %dma_wait3A_111 : memref<1x!tpu.dma_semaphore, #tpu.memory_space<semaphore_mem>> -> memref<!tpu.dma_semaphore, #tpu.memory_space<semaphore_mem>>
    tpu.wait_indirect_dma semaphore(%dma_wait3A_112 : memref<!tpu.dma_semaphore, #tpu.memory_space<semaphore_mem>>) src(%dma_wait3A_110 : memref<262144x128xf32, #tpu.memory_space<hbm>>) dst(%dma_wait3A_105 : memref<256x128xf32, #tpu.memory_space<vmem>>)
    %add3A_113 = arith.constant 256 : i32
    %add3A_114 = arith.addi %mul3A_2, %add3A_113 : i32
    %dma_start3A_115 = arith.constant 1 : i32
    %dma_start3A_116 = arith.constant 1 : i32
    %dma_start3A_117 = arith.constant 0 : i32
    %dma_start3A_118 = arith.constant 0 : i32
    %dma_start3A_119 = tpu.memref_slice %arg6[%dma_start3A_115, %dma_start3A_117, %dma_start3A_118] : memref<3x256x128xf32, #tpu.memory_space<vmem>> -> memref<1x256x128xf32, #tpu.memory_space<vmem>>
    %dma_start3A_120 = tpu.memref_squeeze %dma_start3A_119 : memref<1x256x128xf32, #tpu.memory_space<vmem>> -> memref<256x128xf32, #tpu.memory_space<vmem>>
    %dma_start3A_121 = arith.constant 0 : i32
    %dma_start3A_122 = tpu.memref_slice %arg4[%add3A_114, %dma_start3A_121] : memref<131072x128xf32, #tpu.memory_space<hbm>> -> memref<256x128xf32, #tpu.memory_space<hbm>>
    %dma_start3A_123 = tpu.memref_slice %arg8[%dma_start3A_116] : memref<3x!tpu.dma_semaphore, #tpu.memory_space<semaphore_mem>> -> memref<1x!tpu.dma_semaphore, #tpu.memory_space<semaphore_mem>>
    %dma_start3A_124 = tpu.memref_squeeze %dma_start3A_123 : memref<1x!tpu.dma_semaphore, #tpu.memory_space<semaphore_mem>> -> memref<!tpu.dma_semaphore, #tpu.memory_space<semaphore_mem>>
    %dma_start3A_125 = arith.constant 0 : i32
    %dma_start3A_126 = tpu.memref_slice %arg4[%add3A_114, %dma_start3A_125] : memref<131072x128xf32, #tpu.memory_space<hbm>> -> memref<256x128xf32, #tpu.memory_space<hbm>>
    %dma_start3A_127 = arith.constant 0 : i32
    %dma_start3A_128 = arith.constant 0 : i32
    %dma_start3A_129 = tpu.memref_slice %arg6[%dma_start3A_115, %dma_start3A_127, %dma_start3A_128] : memref<3x256x128xf32, #tpu.memory_space<vmem>> -> memref<1x256x128xf32, #tpu.memory_space<vmem>>
    %dma_start3A_130 = tpu.memref_squeeze %dma_start3A_129 : memref<1x256x128xf32, #tpu.memory_space<vmem>> -> memref<256x128xf32, #tpu.memory_space<vmem>>
    tpu.enqueue_dma source(%dma_start3A_130 : memref<256x128xf32, #tpu.memory_space<vmem>>) target(%dma_start3A_126 : memref<256x128xf32, #tpu.memory_space<hbm>>) target_semaphore(%dma_start3A_124 : memref<!tpu.dma_semaphore, #tpu.memory_space<semaphore_mem>>)
    %dma_wait3A_131 = arith.constant 1 : i32
    %dma_wait3A_132 = arith.constant 1 : i32
    %dma_wait3A_133 = arith.constant 0 : i32
    %dma_wait3A_134 = arith.constant 0 : i32
    %dma_wait3A_135 = tpu.memref_slice %arg6[%dma_wait3A_131, %dma_wait3A_133, %dma_wait3A_134] : memref<3x256x128xf32, #tpu.memory_space<vmem>> -> memref<1x256x128xf32, #tpu.memory_space<vmem>>
    %dma_wait3A_136 = tpu.memref_squeeze %dma_wait3A_135 : memref<1x256x128xf32, #tpu.memory_space<vmem>> -> memref<256x128xf32, #tpu.memory_space<vmem>>
    %dma_wait3A_137 = arith.constant 0 : i32
    %dma_wait3A_138 = tpu.memref_slice %arg4[%add3A_114, %dma_wait3A_137] : memref<131072x128xf32, #tpu.memory_space<hbm>> -> memref<256x128xf32, #tpu.memory_space<hbm>>
    %dma_wait3A_139 = tpu.memref_slice %arg8[%dma_wait3A_132] : memref<3x!tpu.dma_semaphore, #tpu.memory_space<semaphore_mem>> -> memref<1x!tpu.dma_semaphore, #tpu.memory_space<semaphore_mem>>
    %dma_wait3A_140 = tpu.memref_squeeze %dma_wait3A_139 : memref<1x!tpu.dma_semaphore, #tpu.memory_space<semaphore_mem>> -> memref<!tpu.dma_semaphore, #tpu.memory_space<semaphore_mem>>
    %dma_wait3A_141 = arith.constant 0 : i32
    %dma_wait3A_142 = tpu.memref_slice %arg4[%add3A_114, %dma_wait3A_141] : memref<131072x128xf32, #tpu.memory_space<hbm>> -> memref<256x128xf32, #tpu.memory_space<hbm>>
    %dma_wait3A_143 = arith.constant 0 : i32
    %dma_wait3A_144 = arith.constant 0 : i32
    %dma_wait3A_145 = tpu.memref_slice %arg6[%dma_wait3A_131, %dma_wait3A_143, %dma_wait3A_144] : memref<3x256x128xf32, #tpu.memory_space<vmem>> -> memref<1x256x128xf32, #tpu.memory_space<vmem>>
    %dma_wait3A_146 = tpu.memref_squeeze %dma_wait3A_145 : memref<1x256x128xf32, #tpu.memory_space<vmem>> -> memref<256x128xf32, #tpu.memory_space<vmem>>
    tpu.wait_dma2 semaphore(%dma_wait3A_140 : memref<!tpu.dma_semaphore, #tpu.memory_space<semaphore_mem>>) src(%dma_wait3A_146 : memref<256x128xf32, #tpu.memory_space<vmem>>) dst(%dma_wait3A_142 : memref<256x128xf32, #tpu.memory_space<hbm>>)
    %dma_start3A_147 = arith.constant 1 : i32
    %dma_start3A_148 = arith.constant 1 : i32
    %dma_start3A_149 = arith.constant 0 : i32
    %dma_start3A_150 = arith.constant 0 : i32
    %dma_start3A_151 = tpu.memref_slice %arg6[%dma_start3A_147, %dma_start3A_149, %dma_start3A_150] : memref<3x256x128xf32, #tpu.memory_space<vmem>> -> memref<1x256x128xf32, #tpu.memory_space<vmem>>
    %dma_start3A_152 = tpu.memref_squeeze %dma_start3A_151 : memref<1x256x128xf32, #tpu.memory_space<vmem>> -> memref<256x128xf32, #tpu.memory_space<vmem>>
    %dma_start3A_153 = arith.constant 1024 : i32
    %dma_start3A_154 = tpu.memref_slice %arg5[%dma_start3A_153] : memref<4096xi32, #tpu.memory_space<vmem>> -> memref<256xi32, #tpu.memory_space<vmem>>
    %dma_start3A_155 = arith.constant 0 : i32
    %dma_start3A_156 = arith.constant 0 : i32
    %dma_start3A_157 = tpu.memref_slice %arg2[%dma_start3A_155, %dma_start3A_156] : memref<262144x128xf32, #tpu.memory_space<hbm>> -> memref<262144x128xf32, #tpu.memory_space<hbm>>
    %dma_start3A_158 = tpu.memref_slice %arg7[%dma_start3A_148] : memref<3x!tpu.dma_semaphore, #tpu.memory_space<semaphore_mem>> -> memref<1x!tpu.dma_semaphore, #tpu.memory_space<semaphore_mem>>
    %dma_start3A_159 = tpu.memref_squeeze %dma_start3A_158 : memref<1x!tpu.dma_semaphore, #tpu.memory_space<semaphore_mem>> -> memref<!tpu.dma_semaphore, #tpu.memory_space<semaphore_mem>>
    tpu.enqueue_indirect_dma source(%dma_start3A_157 : memref<262144x128xf32, #tpu.memory_space<hbm>>) target(%dma_start3A_152 : memref<256x128xf32, #tpu.memory_space<vmem>>) offsets(%dma_start3A_154 : memref<256xi32, #tpu.memory_space<vmem>>) semaphore(%dma_start3A_159 : memref<!tpu.dma_semaphore, #tpu.memory_space<semaphore_mem>>)
    %dma_wait3A_160 = arith.constant 2 : i32
    %dma_wait3A_161 = arith.constant 2 : i32
    %dma_wait3A_162 = arith.constant 0 : i32
    %dma_wait3A_163 = arith.constant 0 : i32
    %dma_wait3A_164 = tpu.memref_slice %arg6[%dma_wait3A_160, %dma_wait3A_162, %dma_wait3A_163] : memref<3x256x128xf32, #tpu.memory_space<vmem>> -> memref<1x256x128xf32, #tpu.memory_space<vmem>>
    %dma_wait3A_165 = tpu.memref_squeeze %dma_wait3A_164 : memref<1x256x128xf32, #tpu.memory_space<vmem>> -> memref<256x128xf32, #tpu.memory_space<vmem>>
    %dma_wait3A_166 = arith.constant 512 : i32
    %dma_wait3A_167 = tpu.memref_slice %arg5[%dma_wait3A_166] : memref<4096xi32, #tpu.memory_space<vmem>> -> memref<256xi32, #tpu.memory_space<vmem>>
    %dma_wait3A_168 = arith.constant 0 : i32
    %dma_wait3A_169 = arith.constant 0 : i32
    %dma_wait3A_170 = tpu.memref_slice %arg2[%dma_wait3A_168, %dma_wait3A_169] : memref<262144x128xf32, #tpu.memory_space<hbm>> -> memref<262144x128xf32, #tpu.memory_space<hbm>>
    %dma_wait3A_171 = tpu.memref_slice %arg7[%dma_wait3A_161] : memref<3x!tpu.dma_semaphore, #tpu.memory_space<semaphore_mem>> -> memref<1x!tpu.dma_semaphore, #tpu.memory_space<semaphore_mem>>
    %dma_wait3A_172 = tpu.memref_squeeze %dma_wait3A_171 : memref<1x!tpu.dma_semaphore, #tpu.memory_space<semaphore_mem>> -> memref<!tpu.dma_semaphore, #tpu.memory_space<semaphore_mem>>
    tpu.wait_indirect_dma semaphore(%dma_wait3A_172 : memref<!tpu.dma_semaphore, #tpu.memory_space<semaphore_mem>>) src(%dma_wait3A_170 : memref<262144x128xf32, #tpu.memory_space<hbm>>) dst(%dma_wait3A_165 : memref<256x128xf32, #tpu.memory_space<vmem>>)
    %add3A_173 = arith.constant 512 : i32
    %add3A_174 = arith.addi %mul3A_2, %add3A_173 : i32
    %dma_start3A_175 = arith.constant 2 : i32
    %dma_start3A_176 = arith.constant 2 : i32
    %dma_start3A_177 = arith.constant 0 : i32
    %dma_start3A_178 = arith.constant 0 : i32
    %dma_start3A_179 = tpu.memref_slice %arg6[%dma_start3A_175, %dma_start3A_177, %dma_start3A_178] : memref<3x256x128xf32, #tpu.memory_space<vmem>> -> memref<1x256x128xf32, #tpu.memory_space<vmem>>
    %dma_start3A_180 = tpu.memref_squeeze %dma_start3A_179 : memref<1x256x128xf32, #tpu.memory_space<vmem>> -> memref<256x128xf32, #tpu.memory_space<vmem>>
    %dma_start3A_181 = arith.constant 0 : i32
    %dma_start3A_182 = tpu.memref_slice %arg4[%add3A_174, %dma_start3A_181] : memref<131072x128xf32, #tpu.memory_space<hbm>> -> memref<256x128xf32, #tpu.memory_space<hbm>>
    %dma_start3A_183 = tpu.memref_slice %arg8[%dma_start3A_176] : memref<3x!tpu.dma_semaphore, #tpu.memory_space<semaphore_mem>> -> memref<1x!tpu.dma_semaphore, #tpu.memory_space<semaphore_mem>>
    %dma_start3A_184 = tpu.memref_squeeze %dma_start3A_183 : memref<1x!tpu.dma_semaphore, #tpu.memory_space<semaphore_mem>> -> memref<!tpu.dma_semaphore, #tpu.memory_space<semaphore_mem>>
    %dma_start3A_185 = arith.constant 0 : i32
    %dma_start3A_186 = tpu.memref_slice %arg4[%add3A_174, %dma_start3A_185] : memref<131072x128xf32, #tpu.memory_space<hbm>> -> memref<256x128xf32, #tpu.memory_space<hbm>>
    %dma_start3A_187 = arith.constant 0 : i32
    %dma_start3A_188 = arith.constant 0 : i32
    %dma_start3A_189 = tpu.memref_slice %arg6[%dma_start3A_175, %dma_start3A_187, %dma_start3A_188] : memref<3x256x128xf32, #tpu.memory_space<vmem>> -> memref<1x256x128xf32, #tpu.memory_space<vmem>>
    %dma_start3A_190 = tpu.memref_squeeze %dma_start3A_189 : memref<1x256x128xf32, #tpu.memory_space<vmem>> -> memref<256x128xf32, #tpu.memory_space<vmem>>
    tpu.enqueue_dma source(%dma_start3A_190 : memref<256x128xf32, #tpu.memory_space<vmem>>) target(%dma_start3A_186 : memref<256x128xf32, #tpu.memory_space<hbm>>) target_semaphore(%dma_start3A_184 : memref<!tpu.dma_semaphore, #tpu.memory_space<semaphore_mem>>)
    %dma_wait3A_191 = arith.constant 2 : i32
    %dma_wait3A_192 = arith.constant 2 : i32
    %dma_wait3A_193 = arith.constant 0 : i32
    %dma_wait3A_194 = arith.constant 0 : i32
    %dma_wait3A_195 = tpu.memref_slice %arg6[%dma_wait3A_191, %dma_wait3A_193, %dma_wait3A_194] : memref<3x256x128xf32, #tpu.memory_space<vmem>> -> memref<1x256x128xf32, #tpu.memory_space<vmem>>
    %dma_wait3A_196 = tpu.memref_squeeze %dma_wait3A_195 : memref<1x256x128xf32, #tpu.memory_space<vmem>> -> memref<256x128xf32, #tpu.memory_space<vmem>>
    %dma_wait3A_197 = arith.constant 0 : i32
    %dma_wait3A_198 = tpu.memref_slice %arg4[%add3A_174, %dma_wait3A_197] : memref<131072x128xf32, #tpu.memory_space<hbm>> -> memref<256x128xf32, #tpu.memory_space<hbm>>
    %dma_wait3A_199 = tpu.memref_slice %arg8[%dma_wait3A_192] : memref<3x!tpu.dma_semaphore, #tpu.memory_space<semaphore_mem>> -> memref<1x!tpu.dma_semaphore, #tpu.memory_space<semaphore_mem>>
    %dma_wait3A_200 = tpu.memref_squeeze %dma_wait3A_199 : memref<1x!tpu.dma_semaphore, #tpu.memory_space<semaphore_mem>> -> memref<!tpu.dma_semaphore, #tpu.memory_space<semaphore_mem>>
    %dma_wait3A_201 = arith.constant 0 : i32
    %dma_wait3A_202 = tpu.memref_slice %arg4[%add3A_174, %dma_wait3A_201] : memref<131072x128xf32, #tpu.memory_space<hbm>> -> memref<256x128xf32, #tpu.memory_space<hbm>>
    %dma_wait3A_203 = arith.constant 0 : i32
    %dma_wait3A_204 = arith.constant 0 : i32
    %dma_wait3A_205 = tpu.memref_slice %arg6[%dma_wait3A_191, %dma_wait3A_203, %dma_wait3A_204] : memref<3x256x128xf32, #tpu.memory_space<vmem>> -> memref<1x256x128xf32, #tpu.memory_space<vmem>>
    %dma_wait3A_206 = tpu.memref_squeeze %dma_wait3A_205 : memref<1x256x128xf32, #tpu.memory_space<vmem>> -> memref<256x128xf32, #tpu.memory_space<vmem>>
    tpu.wait_dma2 semaphore(%dma_wait3A_200 : memref<!tpu.dma_semaphore, #tpu.memory_space<semaphore_mem>>) src(%dma_wait3A_206 : memref<256x128xf32, #tpu.memory_space<vmem>>) dst(%dma_wait3A_202 : memref<256x128xf32, #tpu.memory_space<hbm>>)
    %dma_start3A_207 = arith.constant 2 : i32
    %dma_start3A_208 = arith.constant 2 : i32
    %dma_start3A_209 = arith.constant 0 : i32
    %dma_start3A_210 = arith.constant 0 : i32
    %dma_start3A_211 = tpu.memref_slice %arg6[%dma_start3A_207, %dma_start3A_209, %dma_start3A_210] : memref<3x256x128xf32, #tpu.memory_space<vmem>> -> memref<1x256x128xf32, #tpu.memory_space<vmem>>
    %dma_start3A_212 = tpu.memref_squeeze %dma_start3A_211 : memref<1x256x128xf32, #tpu.memory_space<vmem>> -> memref<256x128xf32, #tpu.memory_space<vmem>>
    %dma_start3A_213 = arith.constant 1280 : i32
    %dma_start3A_214 = tpu.memref_slice %arg5[%dma_start3A_213] : memref<4096xi32, #tpu.memory_space<vmem>> -> memref<256xi32, #tpu.memory_space<vmem>>
    %dma_start3A_215 = arith.constant 0 : i32
    %dma_start3A_216 = arith.constant 0 : i32
    %dma_start3A_217 = tpu.memref_slice %arg2[%dma_start3A_215, %dma_start3A_216] : memref<262144x128xf32, #tpu.memory_space<hbm>> -> memref<262144x128xf32, #tpu.memory_space<hbm>>
    %dma_start3A_218 = tpu.memref_slice %arg7[%dma_start3A_208] : memref<3x!tpu.dma_semaphore, #tpu.memory_space<semaphore_mem>> -> memref<1x!tpu.dma_semaphore, #tpu.memory_space<semaphore_mem>>
    %dma_start3A_219 = tpu.memref_squeeze %dma_start3A_218 : memref<1x!tpu.dma_semaphore, #tpu.memory_space<semaphore_mem>> -> memref<!tpu.dma_semaphore, #tpu.memory_space<semaphore_mem>>
    tpu.enqueue_indirect_dma source(%dma_start3A_217 : memref<262144x128xf32, #tpu.memory_space<hbm>>) target(%dma_start3A_212 : memref<256x128xf32, #tpu.memory_space<vmem>>) offsets(%dma_start3A_214 : memref<256xi32, #tpu.memory_space<vmem>>) semaphore(%dma_start3A_219 : memref<!tpu.dma_semaphore, #tpu.memory_space<semaphore_mem>>)
    %dma_wait3A_220 = arith.constant 0 : i32
    %dma_wait3A_221 = arith.constant 0 : i32
    %dma_wait3A_222 = arith.constant 0 : i32
    %dma_wait3A_223 = arith.constant 0 : i32
    %dma_wait3A_224 = tpu.memref_slice %arg6[%dma_wait3A_220, %dma_wait3A_222, %dma_wait3A_223] : memref<3x256x128xf32, #tpu.memory_space<vmem>> -> memref<1x256x128xf32, #tpu.memory_space<vmem>>
    %dma_wait3A_225 = tpu.memref_squeeze %dma_wait3A_224 : memref<1x256x128xf32, #tpu.memory_space<vmem>> -> memref<256x128xf32, #tpu.memory_space<vmem>>
    %dma_wait3A_226 = arith.constant 768 : i32
    %dma_wait3A_227 = tpu.memref_slice %arg5[%dma_wait3A_226] : memref<4096xi32, #tpu.memory_space<vmem>> -> memref<256xi32, #tpu.memory_space<vmem>>
    %dma_wait3A_228 = arith.constant 0 : i32
    %dma_wait3A_229 = arith.constant 0 : i32
    %dma_wait3A_230 = tpu.memref_slice %arg2[%dma_wait3A_228, %dma_wait3A_229] : memref<262144x128xf32, #tpu.memory_space<hbm>> -> memref<262144x128xf32, #tpu.memory_space<hbm>>
    %dma_wait3A_231 = tpu.memref_slice %arg7[%dma_wait3A_221] : memref<3x!tpu.dma_semaphore, #tpu.memory_space<semaphore_mem>> -> memref<1x!tpu.dma_semaphore, #tpu.memory_space<semaphore_mem>>
    %dma_wait3A_232 = tpu.memref_squeeze %dma_wait3A_231 : memref<1x!tpu.dma_semaphore, #tpu.memory_space<semaphore_mem>> -> memref<!tpu.dma_semaphore, #tpu.memory_space<semaphore_mem>>
    tpu.wait_indirect_dma semaphore(%dma_wait3A_232 : memref<!tpu.dma_semaphore, #tpu.memory_space<semaphore_mem>>) src(%dma_wait3A_230 : memref<262144x128xf32, #tpu.memory_space<hbm>>) dst(%dma_wait3A_225 : memref<256x128xf32, #tpu.memory_space<vmem>>)
    %add3A_233 = arith.constant 768 : i32
    %add3A_234 = arith.addi %mul3A_2, %add3A_233 : i32
    %dma_start3A_235 = arith.constant 0 : i32
    %dma_start3A_236 = arith.constant 0 : i32
    %dma_start3A_237 = arith.constant 0 : i32
    %dma_start3A_238 = arith.constant 0 : i32
    %dma_start3A_239 = tpu.memref_slice %arg6[%dma_start3A_235, %dma_start3A_237, %dma_start3A_238] : memref<3x256x128xf32, #tpu.memory_space<vmem>> -> memref<1x256x128xf32, #tpu.memory_space<vmem>>
    %dma_start3A_240 = tpu.memref_squeeze %dma_start3A_239 : memref<1x256x128xf32, #tpu.memory_space<vmem>> -> memref<256x128xf32, #tpu.memory_space<vmem>>
    %dma_start3A_241 = arith.constant 0 : i32
    %dma_start3A_242 = tpu.memref_slice %arg4[%add3A_234, %dma_start3A_241] : memref<131072x128xf32, #tpu.memory_space<hbm>> -> memref<256x128xf32, #tpu.memory_space<hbm>>
    %dma_start3A_243 = tpu.memref_slice %arg8[%dma_start3A_236] : memref<3x!tpu.dma_semaphore, #tpu.memory_space<semaphore_mem>> -> memref<1x!tpu.dma_semaphore, #tpu.memory_space<semaphore_mem>>
    %dma_start3A_244 = tpu.memref_squeeze %dma_start3A_243 : memref<1x!tpu.dma_semaphore, #tpu.memory_space<semaphore_mem>> -> memref<!tpu.dma_semaphore, #tpu.memory_space<semaphore_mem>>
    %dma_start3A_245 = arith.constant 0 : i32
    %dma_start3A_246 = tpu.memref_slice %arg4[%add3A_234, %dma_start3A_245] : memref<131072x128xf32, #tpu.memory_space<hbm>> -> memref<256x128xf32, #tpu.memory_space<hbm>>
    %dma_start3A_247 = arith.constant 0 : i32
    %dma_start3A_248 = arith.constant 0 : i32
    %dma_start3A_249 = tpu.memref_slice %arg6[%dma_start3A_235, %dma_start3A_247, %dma_start3A_248] : memref<3x256x128xf32, #tpu.memory_space<vmem>> -> memref<1x256x128xf32, #tpu.memory_space<vmem>>
    %dma_start3A_250 = tpu.memref_squeeze %dma_start3A_249 : memref<1x256x128xf32, #tpu.memory_space<vmem>> -> memref<256x128xf32, #tpu.memory_space<vmem>>
    tpu.enqueue_dma source(%dma_start3A_250 : memref<256x128xf32, #tpu.memory_space<vmem>>) target(%dma_start3A_246 : memref<256x128xf32, #tpu.memory_space<hbm>>) target_semaphore(%dma_start3A_244 : memref<!tpu.dma_semaphore, #tpu.memory_space<semaphore_mem>>)
    %dma_wait3A_251 = arith.constant 0 : i32
    %dma_wait3A_252 = arith.constant 0 : i32
    %dma_wait3A_253 = arith.constant 0 : i32
    %dma_wait3A_254 = arith.constant 0 : i32
    %dma_wait3A_255 = tpu.memref_slice %arg6[%dma_wait3A_251, %dma_wait3A_253, %dma_wait3A_254] : memref<3x256x128xf32, #tpu.memory_space<vmem>> -> memref<1x256x128xf32, #tpu.memory_space<vmem>>
    %dma_wait3A_256 = tpu.memref_squeeze %dma_wait3A_255 : memref<1x256x128xf32, #tpu.memory_space<vmem>> -> memref<256x128xf32, #tpu.memory_space<vmem>>
    %dma_wait3A_257 = arith.constant 0 : i32
    %dma_wait3A_258 = tpu.memref_slice %arg4[%add3A_234, %dma_wait3A_257] : memref<131072x128xf32, #tpu.memory_space<hbm>> -> memref<256x128xf32, #tpu.memory_space<hbm>>
    %dma_wait3A_259 = tpu.memref_slice %arg8[%dma_wait3A_252] : memref<3x!tpu.dma_semaphore, #tpu.memory_space<semaphore_mem>> -> memref<1x!tpu.dma_semaphore, #tpu.memory_space<semaphore_mem>>
    %dma_wait3A_260 = tpu.memref_squeeze %dma_wait3A_259 : memref<1x!tpu.dma_semaphore, #tpu.memory_space<semaphore_mem>> -> memref<!tpu.dma_semaphore, #tpu.memory_space<semaphore_mem>>
    %dma_wait3A_261 = arith.constant 0 : i32
    %dma_wait3A_262 = tpu.memref_slice %arg4[%add3A_234, %dma_wait3A_261] : memref<131072x128xf32, #tpu.memory_space<hbm>> -> memref<256x128xf32, #tpu.memory_space<hbm>>
    %dma_wait3A_263 = arith.constant 0 : i32
    %dma_wait3A_264 = arith.constant 0 : i32
    %dma_wait3A_265 = tpu.memref_slice %arg6[%dma_wait3A_251, %dma_wait3A_263, %dma_wait3A_264] : memref<3x256x128xf32, #tpu.memory_space<vmem>> -> memref<1x256x128xf32, #tpu.memory_space<vmem>>
    %dma_wait3A_266 = tpu.memref_squeeze %dma_wait3A_265 : memref<1x256x128xf32, #tpu.memory_space<vmem>> -> memref<256x128xf32, #tpu.memory_space<vmem>>
    tpu.wait_dma2 semaphore(%dma_wait3A_260 : memref<!tpu.dma_semaphore, #tpu.memory_space<semaphore_mem>>) src(%dma_wait3A_266 : memref<256x128xf32, #tpu.memory_space<vmem>>) dst(%dma_wait3A_262 : memref<256x128xf32, #tpu.memory_space<hbm>>)
    %dma_start3A_267 = arith.constant 0 : i32
    %dma_start3A_268 = arith.constant 0 : i32
    %dma_start3A_269 = arith.constant 0 : i32
    %dma_start3A_270 = arith.constant 0 : i32
    %dma_start3A_271 = tpu.memref_slice %arg6[%dma_start3A_267, %dma_start3A_269, %dma_start3A_270] : memref<3x256x128xf32, #tpu.memory_space<vmem>> -> memref<1x256x128xf32, #tpu.memory_space<vmem>>
    %dma_start3A_272 = tpu.memref_squeeze %dma_start3A_271 : memref<1x256x128xf32, #tpu.memory_space<vmem>> -> memref<256x128xf32, #tpu.memory_space<vmem>>
    %dma_start3A_273 = arith.constant 1536 : i32
    %dma_start3A_274 = tpu.memref_slice %arg5[%dma_start3A_273] : memref<4096xi32, #tpu.memory_space<vmem>> -> memref<256xi32, #tpu.memory_space<vmem>>
    %dma_start3A_275 = arith.constant 0 : i32
    %dma_start3A_276 = arith.constant 0 : i32
    %dma_start3A_277 = tpu.memref_slice %arg2[%dma_start3A_275, %dma_start3A_276] : memref<262144x128xf32, #tpu.memory_space<hbm>> -> memref<262144x128xf32, #tpu.memory_space<hbm>>
    %dma_start3A_278 = tpu.memref_slice %arg7[%dma_start3A_268] : memref<3x!tpu.dma_semaphore, #tpu.memory_space<semaphore_mem>> -> memref<1x!tpu.dma_semaphore, #tpu.memory_space<semaphore_mem>>
    %dma_start3A_279 = tpu.memref_squeeze %dma_start3A_278 : memref<1x!tpu.dma_semaphore, #tpu.memory_space<semaphore_mem>> -> memref<!tpu.dma_semaphore, #tpu.memory_space<semaphore_mem>>
    tpu.enqueue_indirect_dma source(%dma_start3A_277 : memref<262144x128xf32, #tpu.memory_space<hbm>>) target(%dma_start3A_272 : memref<256x128xf32, #tpu.memory_space<vmem>>) offsets(%dma_start3A_274 : memref<256xi32, #tpu.memory_space<vmem>>) semaphore(%dma_start3A_279 : memref<!tpu.dma_semaphore, #tpu.memory_space<semaphore_mem>>)
    %dma_wait3A_280 = arith.constant 1 : i32
    %dma_wait3A_281 = arith.constant 1 : i32
    %dma_wait3A_282 = arith.constant 0 : i32
    %dma_wait3A_283 = arith.constant 0 : i32
    %dma_wait3A_284 = tpu.memref_slice %arg6[%dma_wait3A_280, %dma_wait3A_282, %dma_wait3A_283] : memref<3x256x128xf32, #tpu.memory_space<vmem>> -> memref<1x256x128xf32, #tpu.memory_space<vmem>>
    %dma_wait3A_285 = tpu.memref_squeeze %dma_wait3A_284 : memref<1x256x128xf32, #tpu.memory_space<vmem>> -> memref<256x128xf32, #tpu.memory_space<vmem>>
    %dma_wait3A_286 = arith.constant 1024 : i32
    %dma_wait3A_287 = tpu.memref_slice %arg5[%dma_wait3A_286] : memref<4096xi32, #tpu.memory_space<vmem>> -> memref<256xi32, #tpu.memory_space<vmem>>
    %dma_wait3A_288 = arith.constant 0 : i32
    %dma_wait3A_289 = arith.constant 0 : i32
    %dma_wait3A_290 = tpu.memref_slice %arg2[%dma_wait3A_288, %dma_wait3A_289] : memref<262144x128xf32, #tpu.memory_space<hbm>> -> memref<262144x128xf32, #tpu.memory_space<hbm>>
    %dma_wait3A_291 = tpu.memref_slice %arg7[%dma_wait3A_281] : memref<3x!tpu.dma_semaphore, #tpu.memory_space<semaphore_mem>> -> memref<1x!tpu.dma_semaphore, #tpu.memory_space<semaphore_mem>>
    %dma_wait3A_292 = tpu.memref_squeeze %dma_wait3A_291 : memref<1x!tpu.dma_semaphore, #tpu.memory_space<semaphore_mem>> -> memref<!tpu.dma_semaphore, #tpu.memory_space<semaphore_mem>>
    tpu.wait_indirect_dma semaphore(%dma_wait3A_292 : memref<!tpu.dma_semaphore, #tpu.memory_space<semaphore_mem>>) src(%dma_wait3A_290 : memref<262144x128xf32, #tpu.memory_space<hbm>>) dst(%dma_wait3A_285 : memref<256x128xf32, #tpu.memory_space<vmem>>)
    %add3A_293 = arith.constant 1024 : i32
    %add3A_294 = arith.addi %mul3A_2, %add3A_293 : i32
    %dma_start3A_295 = arith.constant 1 : i32
    %dma_start3A_296 = arith.constant 1 : i32
    %dma_start3A_297 = arith.constant 0 : i32
    %dma_start3A_298 = arith.constant 0 : i32
    %dma_start3A_299 = tpu.memref_slice %arg6[%dma_start3A_295, %dma_start3A_297, %dma_start3A_298] : memref<3x256x128xf32, #tpu.memory_space<vmem>> -> memref<1x256x128xf32, #tpu.memory_space<vmem>>
    %dma_start3A_300 = tpu.memref_squeeze %dma_start3A_299 : memref<1x256x128xf32, #tpu.memory_space<vmem>> -> memref<256x128xf32, #tpu.memory_space<vmem>>
    %dma_start3A_301 = arith.constant 0 : i32
    %dma_start3A_302 = tpu.memref_slice %arg4[%add3A_294, %dma_start3A_301] : memref<131072x128xf32, #tpu.memory_space<hbm>> -> memref<256x128xf32, #tpu.memory_space<hbm>>
    %dma_start3A_303 = tpu.memref_slice %arg8[%dma_start3A_296] : memref<3x!tpu.dma_semaphore, #tpu.memory_space<semaphore_mem>> -> memref<1x!tpu.dma_semaphore, #tpu.memory_space<semaphore_mem>>
    %dma_start3A_304 = tpu.memref_squeeze %dma_start3A_303 : memref<1x!tpu.dma_semaphore, #tpu.memory_space<semaphore_mem>> -> memref<!tpu.dma_semaphore, #tpu.memory_space<semaphore_mem>>
    %dma_start3A_305 = arith.constant 0 : i32
    %dma_start3A_306 = tpu.memref_slice %arg4[%add3A_294, %dma_start3A_305] : memref<131072x128xf32, #tpu.memory_space<hbm>> -> memref<256x128xf32, #tpu.memory_space<hbm>>
    %dma_start3A_307 = arith.constant 0 : i32
    %dma_start3A_308 = arith.constant 0 : i32
    %dma_start3A_309 = tpu.memref_slice %arg6[%dma_start3A_295, %dma_start3A_307, %dma_start3A_308] : memref<3x256x128xf32, #tpu.memory_space<vmem>> -> memref<1x256x128xf32, #tpu.memory_space<vmem>>
    %dma_start3A_310 = tpu.memref_squeeze %dma_start3A_309 : memref<1x256x128xf32, #tpu.memory_space<vmem>> -> memref<256x128xf32, #tpu.memory_space<vmem>>
    tpu.enqueue_dma source(%dma_start3A_310 : memref<256x128xf32, #tpu.memory_space<vmem>>) target(%dma_start3A_306 : memref<256x128xf32, #tpu.memory_space<hbm>>) target_semaphore(%dma_start3A_304 : memref<!tpu.dma_semaphore, #tpu.memory_space<semaphore_mem>>)
    %dma_wait3A_311 = arith.constant 1 : i32
    %dma_wait3A_312 = arith.constant 1 : i32
    %dma_wait3A_313 = arith.constant 0 : i32
    %dma_wait3A_314 = arith.constant 0 : i32
    %dma_wait3A_315 = tpu.memref_slice %arg6[%dma_wait3A_311, %dma_wait3A_313, %dma_wait3A_314] : memref<3x256x128xf32, #tpu.memory_space<vmem>> -> memref<1x256x128xf32, #tpu.memory_space<vmem>>
    %dma_wait3A_316 = tpu.memref_squeeze %dma_wait3A_315 : memref<1x256x128xf32, #tpu.memory_space<vmem>> -> memref<256x128xf32, #tpu.memory_space<vmem>>
    %dma_wait3A_317 = arith.constant 0 : i32
    %dma_wait3A_318 = tpu.memref_slice %arg4[%add3A_294, %dma_wait3A_317] : memref<131072x128xf32, #tpu.memory_space<hbm>> -> memref<256x128xf32, #tpu.memory_space<hbm>>
    %dma_wait3A_319 = tpu.memref_slice %arg8[%dma_wait3A_312] : memref<3x!tpu.dma_semaphore, #tpu.memory_space<semaphore_mem>> -> memref<1x!tpu.dma_semaphore, #tpu.memory_space<semaphore_mem>>
    %dma_wait3A_320 = tpu.memref_squeeze %dma_wait3A_319 : memref<1x!tpu.dma_semaphore, #tpu.memory_space<semaphore_mem>> -> memref<!tpu.dma_semaphore, #tpu.memory_space<semaphore_mem>>
    %dma_wait3A_321 = arith.constant 0 : i32
    %dma_wait3A_322 = tpu.memref_slice %arg4[%add3A_294, %dma_wait3A_321] : memref<131072x128xf32, #tpu.memory_space<hbm>> -> memref<256x128xf32, #tpu.memory_space<hbm>>
    %dma_wait3A_323 = arith.constant 0 : i32
    %dma_wait3A_324 = arith.constant 0 : i32
    %dma_wait3A_325 = tpu.memref_slice %arg6[%dma_wait3A_311, %dma_wait3A_323, %dma_wait3A_324] : memref<3x256x128xf32, #tpu.memory_space<vmem>> -> memref<1x256x128xf32, #tpu.memory_space<vmem>>
    %dma_wait3A_326 = tpu.memref_squeeze %dma_wait3A_325 : memref<1x256x128xf32, #tpu.memory_space<vmem>> -> memref<256x128xf32, #tpu.memory_space<vmem>>
    tpu.wait_dma2 semaphore(%dma_wait3A_320 : memref<!tpu.dma_semaphore, #tpu.memory_space<semaphore_mem>>) src(%dma_wait3A_326 : memref<256x128xf32, #tpu.memory_space<vmem>>) dst(%dma_wait3A_322 : memref<256x128xf32, #tpu.memory_space<hbm>>)
    %dma_start3A_327 = arith.constant 1 : i32
    %dma_start3A_328 = arith.constant 1 : i32
    %dma_start3A_329 = arith.constant 0 : i32
    %dma_start3A_330 = arith.constant 0 : i32
    %dma_start3A_331 = tpu.memref_slice %arg6[%dma_start3A_327, %dma_start3A_329, %dma_start3A_330] : memref<3x256x128xf32, #tpu.memory_space<vmem>> -> memref<1x256x128xf32, #tpu.memory_space<vmem>>
    %dma_start3A_332 = tpu.memref_squeeze %dma_start3A_331 : memref<1x256x128xf32, #tpu.memory_space<vmem>> -> memref<256x128xf32, #tpu.memory_space<vmem>>
    %dma_start3A_333 = arith.constant 1792 : i32
    %dma_start3A_334 = tpu.memref_slice %arg5[%dma_start3A_333] : memref<4096xi32, #tpu.memory_space<vmem>> -> memref<256xi32, #tpu.memory_space<vmem>>
    %dma_start3A_335 = arith.constant 0 : i32
    %dma_start3A_336 = arith.constant 0 : i32
    %dma_start3A_337 = tpu.memref_slice %arg2[%dma_start3A_335, %dma_start3A_336] : memref<262144x128xf32, #tpu.memory_space<hbm>> -> memref<262144x128xf32, #tpu.memory_space<hbm>>
    %dma_start3A_338 = tpu.memref_slice %arg7[%dma_start3A_328] : memref<3x!tpu.dma_semaphore, #tpu.memory_space<semaphore_mem>> -> memref<1x!tpu.dma_semaphore, #tpu.memory_space<semaphore_mem>>
    %dma_start3A_339 = tpu.memref_squeeze %dma_start3A_338 : memref<1x!tpu.dma_semaphore, #tpu.memory_space<semaphore_mem>> -> memref<!tpu.dma_semaphore, #tpu.memory_space<semaphore_mem>>
    tpu.enqueue_indirect_dma source(%dma_start3A_337 : memref<262144x128xf32, #tpu.memory_space<hbm>>) target(%dma_start3A_332 : memref<256x128xf32, #tpu.memory_space<vmem>>) offsets(%dma_start3A_334 : memref<256xi32, #tpu.memory_space<vmem>>) semaphore(%dma_start3A_339 : memref<!tpu.dma_semaphore, #tpu.memory_space<semaphore_mem>>)
    %dma_wait3A_340 = arith.constant 2 : i32
    %dma_wait3A_341 = arith.constant 2 : i32
    %dma_wait3A_342 = arith.constant 0 : i32
    %dma_wait3A_343 = arith.constant 0 : i32
    %dma_wait3A_344 = tpu.memref_slice %arg6[%dma_wait3A_340, %dma_wait3A_342, %dma_wait3A_343] : memref<3x256x128xf32, #tpu.memory_space<vmem>> -> memref<1x256x128xf32, #tpu.memory_space<vmem>>
    %dma_wait3A_345 = tpu.memref_squeeze %dma_wait3A_344 : memref<1x256x128xf32, #tpu.memory_space<vmem>> -> memref<256x128xf32, #tpu.memory_space<vmem>>
    %dma_wait3A_346 = arith.constant 1280 : i32
    %dma_wait3A_347 = tpu.memref_slice %arg5[%dma_wait3A_346] : memref<4096xi32, #tpu.memory_space<vmem>> -> memref<256xi32, #tpu.memory_space<vmem>>
    %dma_wait3A_348 = arith.constant 0 : i32
    %dma_wait3A_349 = arith.constant 0 : i32
    %dma_wait3A_350 = tpu.memref_slice %arg2[%dma_wait3A_348, %dma_wait3A_349] : memref<262144x128xf32, #tpu.memory_space<hbm>> -> memref<262144x128xf32, #tpu.memory_space<hbm>>
    %dma_wait3A_351 = tpu.memref_slice %arg7[%dma_wait3A_341] : memref<3x!tpu.dma_semaphore, #tpu.memory_space<semaphore_mem>> -> memref<1x!tpu.dma_semaphore, #tpu.memory_space<semaphore_mem>>
    %dma_wait3A_352 = tpu.memref_squeeze %dma_wait3A_351 : memref<1x!tpu.dma_semaphore, #tpu.memory_space<semaphore_mem>> -> memref<!tpu.dma_semaphore, #tpu.memory_space<semaphore_mem>>
    tpu.wait_indirect_dma semaphore(%dma_wait3A_352 : memref<!tpu.dma_semaphore, #tpu.memory_space<semaphore_mem>>) src(%dma_wait3A_350 : memref<262144x128xf32, #tpu.memory_space<hbm>>) dst(%dma_wait3A_345 : memref<256x128xf32, #tpu.memory_space<vmem>>)
    %add3A_353 = arith.constant 1280 : i32
    %add3A_354 = arith.addi %mul3A_2, %add3A_353 : i32
    %dma_start3A_355 = arith.constant 2 : i32
    %dma_start3A_356 = arith.constant 2 : i32
    %dma_start3A_357 = arith.constant 0 : i32
    %dma_start3A_358 = arith.constant 0 : i32
    %dma_start3A_359 = tpu.memref_slice %arg6[%dma_start3A_355, %dma_start3A_357, %dma_start3A_358] : memref<3x256x128xf32, #tpu.memory_space<vmem>> -> memref<1x256x128xf32, #tpu.memory_space<vmem>>
    %dma_start3A_360 = tpu.memref_squeeze %dma_start3A_359 : memref<1x256x128xf32, #tpu.memory_space<vmem>> -> memref<256x128xf32, #tpu.memory_space<vmem>>
    %dma_start3A_361 = arith.constant 0 : i32
    %dma_start3A_362 = tpu.memref_slice %arg4[%add3A_354, %dma_start3A_361] : memref<131072x128xf32, #tpu.memory_space<hbm>> -> memref<256x128xf32, #tpu.memory_space<hbm>>
    %dma_start3A_363 = tpu.memref_slice %arg8[%dma_start3A_356] : memref<3x!tpu.dma_semaphore, #tpu.memory_space<semaphore_mem>> -> memref<1x!tpu.dma_semaphore, #tpu.memory_space<semaphore_mem>>
    %dma_start3A_364 = tpu.memref_squeeze %dma_start3A_363 : memref<1x!tpu.dma_semaphore, #tpu.memory_space<semaphore_mem>> -> memref<!tpu.dma_semaphore, #tpu.memory_space<semaphore_mem>>
    %dma_start3A_365 = arith.constant 0 : i32
    %dma_start3A_366 = tpu.memref_slice %arg4[%add3A_354, %dma_start3A_365] : memref<131072x128xf32, #tpu.memory_space<hbm>> -> memref<256x128xf32, #tpu.memory_space<hbm>>
    %dma_start3A_367 = arith.constant 0 : i32
    %dma_start3A_368 = arith.constant 0 : i32
    %dma_start3A_369 = tpu.memref_slice %arg6[%dma_start3A_355, %dma_start3A_367, %dma_start3A_368] : memref<3x256x128xf32, #tpu.memory_space<vmem>> -> memref<1x256x128xf32, #tpu.memory_space<vmem>>
    %dma_start3A_370 = tpu.memref_squeeze %dma_start3A_369 : memref<1x256x128xf32, #tpu.memory_space<vmem>> -> memref<256x128xf32, #tpu.memory_space<vmem>>
    tpu.enqueue_dma source(%dma_start3A_370 : memref<256x128xf32, #tpu.memory_space<vmem>>) target(%dma_start3A_366 : memref<256x128xf32, #tpu.memory_space<hbm>>) target_semaphore(%dma_start3A_364 : memref<!tpu.dma_semaphore, #tpu.memory_space<semaphore_mem>>)
    %dma_wait3A_371 = arith.constant 2 : i32
    %dma_wait3A_372 = arith.constant 2 : i32
    %dma_wait3A_373 = arith.constant 0 : i32
    %dma_wait3A_374 = arith.constant 0 : i32
    %dma_wait3A_375 = tpu.memref_slice %arg6[%dma_wait3A_371, %dma_wait3A_373, %dma_wait3A_374] : memref<3x256x128xf32, #tpu.memory_space<vmem>> -> memref<1x256x128xf32, #tpu.memory_space<vmem>>
    %dma_wait3A_376 = tpu.memref_squeeze %dma_wait3A_375 : memref<1x256x128xf32, #tpu.memory_space<vmem>> -> memref<256x128xf32, #tpu.memory_space<vmem>>
    %dma_wait3A_377 = arith.constant 0 : i32
    %dma_wait3A_378 = tpu.memref_slice %arg4[%add3A_354, %dma_wait3A_377] : memref<131072x128xf32, #tpu.memory_space<hbm>> -> memref<256x128xf32, #tpu.memory_space<hbm>>
    %dma_wait3A_379 = tpu.memref_slice %arg8[%dma_wait3A_372] : memref<3x!tpu.dma_semaphore, #tpu.memory_space<semaphore_mem>> -> memref<1x!tpu.dma_semaphore, #tpu.memory_space<semaphore_mem>>
    %dma_wait3A_380 = tpu.memref_squeeze %dma_wait3A_379 : memref<1x!tpu.dma_semaphore, #tpu.memory_space<semaphore_mem>> -> memref<!tpu.dma_semaphore, #tpu.memory_space<semaphore_mem>>
    %dma_wait3A_381 = arith.constant 0 : i32
    %dma_wait3A_382 = tpu.memref_slice %arg4[%add3A_354, %dma_wait3A_381] : memref<131072x128xf32, #tpu.memory_space<hbm>> -> memref<256x128xf32, #tpu.memory_space<hbm>>
    %dma_wait3A_383 = arith.constant 0 : i32
    %dma_wait3A_384 = arith.constant 0 : i32
    %dma_wait3A_385 = tpu.memref_slice %arg6[%dma_wait3A_371, %dma_wait3A_383, %dma_wait3A_384] : memref<3x256x128xf32, #tpu.memory_space<vmem>> -> memref<1x256x128xf32, #tpu.memory_space<vmem>>
    %dma_wait3A_386 = tpu.memref_squeeze %dma_wait3A_385 : memref<1x256x128xf32, #tpu.memory_space<vmem>> -> memref<256x128xf32, #tpu.memory_space<vmem>>
    tpu.wait_dma2 semaphore(%dma_wait3A_380 : memref<!tpu.dma_semaphore, #tpu.memory_space<semaphore_mem>>) src(%dma_wait3A_386 : memref<256x128xf32, #tpu.memory_space<vmem>>) dst(%dma_wait3A_382 : memref<256x128xf32, #tpu.memory_space<hbm>>)
    %dma_start3A_387 = arith.constant 2 : i32
    %dma_start3A_388 = arith.constant 2 : i32
    %dma_start3A_389 = arith.constant 0 : i32
    %dma_start3A_390 = arith.constant 0 : i32
    %dma_start3A_391 = tpu.memref_slice %arg6[%dma_start3A_387, %dma_start3A_389, %dma_start3A_390] : memref<3x256x128xf32, #tpu.memory_space<vmem>> -> memref<1x256x128xf32, #tpu.memory_space<vmem>>
    %dma_start3A_392 = tpu.memref_squeeze %dma_start3A_391 : memref<1x256x128xf32, #tpu.memory_space<vmem>> -> memref<256x128xf32, #tpu.memory_space<vmem>>
    %dma_start3A_393 = arith.constant 2048 : i32
    %dma_start3A_394 = tpu.memref_slice %arg5[%dma_start3A_393] : memref<4096xi32, #tpu.memory_space<vmem>> -> memref<256xi32, #tpu.memory_space<vmem>>
    %dma_start3A_395 = arith.constant 0 : i32
    %dma_start3A_396 = arith.constant 0 : i32
    %dma_start3A_397 = tpu.memref_slice %arg2[%dma_start3A_395, %dma_start3A_396] : memref<262144x128xf32, #tpu.memory_space<hbm>> -> memref<262144x128xf32, #tpu.memory_space<hbm>>
    %dma_start3A_398 = tpu.memref_slice %arg7[%dma_start3A_388] : memref<3x!tpu.dma_semaphore, #tpu.memory_space<semaphore_mem>> -> memref<1x!tpu.dma_semaphore, #tpu.memory_space<semaphore_mem>>
    %dma_start3A_399 = tpu.memref_squeeze %dma_start3A_398 : memref<1x!tpu.dma_semaphore, #tpu.memory_space<semaphore_mem>> -> memref<!tpu.dma_semaphore, #tpu.memory_space<semaphore_mem>>
    tpu.enqueue_indirect_dma source(%dma_start3A_397 : memref<262144x128xf32, #tpu.memory_space<hbm>>) target(%dma_start3A_392 : memref<256x128xf32, #tpu.memory_space<vmem>>) offsets(%dma_start3A_394 : memref<256xi32, #tpu.memory_space<vmem>>) semaphore(%dma_start3A_399 : memref<!tpu.dma_semaphore, #tpu.memory_space<semaphore_mem>>)
    %dma_wait3A_400 = arith.constant 0 : i32
    %dma_wait3A_401 = arith.constant 0 : i32
    %dma_wait3A_402 = arith.constant 0 : i32
    %dma_wait3A_403 = arith.constant 0 : i32
    %dma_wait3A_404 = tpu.memref_slice %arg6[%dma_wait3A_400, %dma_wait3A_402, %dma_wait3A_403] : memref<3x256x128xf32, #tpu.memory_space<vmem>> -> memref<1x256x128xf32, #tpu.memory_space<vmem>>
    %dma_wait3A_405 = tpu.memref_squeeze %dma_wait3A_404 : memref<1x256x128xf32, #tpu.memory_space<vmem>> -> memref<256x128xf32, #tpu.memory_space<vmem>>
    %dma_wait3A_406 = arith.constant 1536 : i32
    %dma_wait3A_407 = tpu.memref_slice %arg5[%dma_wait3A_406] : memref<4096xi32, #tpu.memory_space<vmem>> -> memref<256xi32, #tpu.memory_space<vmem>>
    %dma_wait3A_408 = arith.constant 0 : i32
    %dma_wait3A_409 = arith.constant 0 : i32
    %dma_wait3A_410 = tpu.memref_slice %arg2[%dma_wait3A_408, %dma_wait3A_409] : memref<262144x128xf32, #tpu.memory_space<hbm>> -> memref<262144x128xf32, #tpu.memory_space<hbm>>
    %dma_wait3A_411 = tpu.memref_slice %arg7[%dma_wait3A_401] : memref<3x!tpu.dma_semaphore, #tpu.memory_space<semaphore_mem>> -> memref<1x!tpu.dma_semaphore, #tpu.memory_space<semaphore_mem>>
    %dma_wait3A_412 = tpu.memref_squeeze %dma_wait3A_411 : memref<1x!tpu.dma_semaphore, #tpu.memory_space<semaphore_mem>> -> memref<!tpu.dma_semaphore, #tpu.memory_space<semaphore_mem>>
    tpu.wait_indirect_dma semaphore(%dma_wait3A_412 : memref<!tpu.dma_semaphore, #tpu.memory_space<semaphore_mem>>) src(%dma_wait3A_410 : memref<262144x128xf32, #tpu.memory_space<hbm>>) dst(%dma_wait3A_405 : memref<256x128xf32, #tpu.memory_space<vmem>>)
    %add3A_413 = arith.constant 1536 : i32
    %add3A_414 = arith.addi %mul3A_2, %add3A_413 : i32
    %dma_start3A_415 = arith.constant 0 : i32
    %dma_start3A_416 = arith.constant 0 : i32
    %dma_start3A_417 = arith.constant 0 : i32
    %dma_start3A_418 = arith.constant 0 : i32
    %dma_start3A_419 = tpu.memref_slice %arg6[%dma_start3A_415, %dma_start3A_417, %dma_start3A_418] : memref<3x256x128xf32, #tpu.memory_space<vmem>> -> memref<1x256x128xf32, #tpu.memory_space<vmem>>
    %dma_start3A_420 = tpu.memref_squeeze %dma_start3A_419 : memref<1x256x128xf32, #tpu.memory_space<vmem>> -> memref<256x128xf32, #tpu.memory_space<vmem>>
    %dma_start3A_421 = arith.constant 0 : i32
    %dma_start3A_422 = tpu.memref_slice %arg4[%add3A_414, %dma_start3A_421] : memref<131072x128xf32, #tpu.memory_space<hbm>> -> memref<256x128xf32, #tpu.memory_space<hbm>>
    %dma_start3A_423 = tpu.memref_slice %arg8[%dma_start3A_416] : memref<3x!tpu.dma_semaphore, #tpu.memory_space<semaphore_mem>> -> memref<1x!tpu.dma_semaphore, #tpu.memory_space<semaphore_mem>>
    %dma_start3A_424 = tpu.memref_squeeze %dma_start3A_423 : memref<1x!tpu.dma_semaphore, #tpu.memory_space<semaphore_mem>> -> memref<!tpu.dma_semaphore, #tpu.memory_space<semaphore_mem>>
    %dma_start3A_425 = arith.constant 0 : i32
    %dma_start3A_426 = tpu.memref_slice %arg4[%add3A_414, %dma_start3A_425] : memref<131072x128xf32, #tpu.memory_space<hbm>> -> memref<256x128xf32, #tpu.memory_space<hbm>>
    %dma_start3A_427 = arith.constant 0 : i32
    %dma_start3A_428 = arith.constant 0 : i32
    %dma_start3A_429 = tpu.memref_slice %arg6[%dma_start3A_415, %dma_start3A_427, %dma_start3A_428] : memref<3x256x128xf32, #tpu.memory_space<vmem>> -> memref<1x256x128xf32, #tpu.memory_space<vmem>>
    %dma_start3A_430 = tpu.memref_squeeze %dma_start3A_429 : memref<1x256x128xf32, #tpu.memory_space<vmem>> -> memref<256x128xf32, #tpu.memory_space<vmem>>
    tpu.enqueue_dma source(%dma_start3A_430 : memref<256x128xf32, #tpu.memory_space<vmem>>) target(%dma_start3A_426 : memref<256x128xf32, #tpu.memory_space<hbm>>) target_semaphore(%dma_start3A_424 : memref<!tpu.dma_semaphore, #tpu.memory_space<semaphore_mem>>)
    %dma_wait3A_431 = arith.constant 0 : i32
    %dma_wait3A_432 = arith.constant 0 : i32
    %dma_wait3A_433 = arith.constant 0 : i32
    %dma_wait3A_434 = arith.constant 0 : i32
    %dma_wait3A_435 = tpu.memref_slice %arg6[%dma_wait3A_431, %dma_wait3A_433, %dma_wait3A_434] : memref<3x256x128xf32, #tpu.memory_space<vmem>> -> memref<1x256x128xf32, #tpu.memory_space<vmem>>
    %dma_wait3A_436 = tpu.memref_squeeze %dma_wait3A_435 : memref<1x256x128xf32, #tpu.memory_space<vmem>> -> memref<256x128xf32, #tpu.memory_space<vmem>>
    %dma_wait3A_437 = arith.constant 0 : i32
    %dma_wait3A_438 = tpu.memref_slice %arg4[%add3A_414, %dma_wait3A_437] : memref<131072x128xf32, #tpu.memory_space<hbm>> -> memref<256x128xf32, #tpu.memory_space<hbm>>
    %dma_wait3A_439 = tpu.memref_slice %arg8[%dma_wait3A_432] : memref<3x!tpu.dma_semaphore, #tpu.memory_space<semaphore_mem>> -> memref<1x!tpu.dma_semaphore, #tpu.memory_space<semaphore_mem>>
    %dma_wait3A_440 = tpu.memref_squeeze %dma_wait3A_439 : memref<1x!tpu.dma_semaphore, #tpu.memory_space<semaphore_mem>> -> memref<!tpu.dma_semaphore, #tpu.memory_space<semaphore_mem>>
    %dma_wait3A_441 = arith.constant 0 : i32
    %dma_wait3A_442 = tpu.memref_slice %arg4[%add3A_414, %dma_wait3A_441] : memref<131072x128xf32, #tpu.memory_space<hbm>> -> memref<256x128xf32, #tpu.memory_space<hbm>>
    %dma_wait3A_443 = arith.constant 0 : i32
    %dma_wait3A_444 = arith.constant 0 : i32
    %dma_wait3A_445 = tpu.memref_slice %arg6[%dma_wait3A_431, %dma_wait3A_443, %dma_wait3A_444] : memref<3x256x128xf32, #tpu.memory_space<vmem>> -> memref<1x256x128xf32, #tpu.memory_space<vmem>>
    %dma_wait3A_446 = tpu.memref_squeeze %dma_wait3A_445 : memref<1x256x128xf32, #tpu.memory_space<vmem>> -> memref<256x128xf32, #tpu.memory_space<vmem>>
    tpu.wait_dma2 semaphore(%dma_wait3A_440 : memref<!tpu.dma_semaphore, #tpu.memory_space<semaphore_mem>>) src(%dma_wait3A_446 : memref<256x128xf32, #tpu.memory_space<vmem>>) dst(%dma_wait3A_442 : memref<256x128xf32, #tpu.memory_space<hbm>>)
    %dma_start3A_447 = arith.constant 0 : i32
    %dma_start3A_448 = arith.constant 0 : i32
    %dma_start3A_449 = arith.constant 0 : i32
    %dma_start3A_450 = arith.constant 0 : i32
    %dma_start3A_451 = tpu.memref_slice %arg6[%dma_start3A_447, %dma_start3A_449, %dma_start3A_450] : memref<3x256x128xf32, #tpu.memory_space<vmem>> -> memref<1x256x128xf32, #tpu.memory_space<vmem>>
    %dma_start3A_452 = tpu.memref_squeeze %dma_start3A_451 : memref<1x256x128xf32, #tpu.memory_space<vmem>> -> memref<256x128xf32, #tpu.memory_space<vmem>>
    %dma_start3A_453 = arith.constant 2304 : i32
    %dma_start3A_454 = tpu.memref_slice %arg5[%dma_start3A_453] : memref<4096xi32, #tpu.memory_space<vmem>> -> memref<256xi32, #tpu.memory_space<vmem>>
    %dma_start3A_455 = arith.constant 0 : i32
    %dma_start3A_456 = arith.constant 0 : i32
    %dma_start3A_457 = tpu.memref_slice %arg2[%dma_start3A_455, %dma_start3A_456] : memref<262144x128xf32, #tpu.memory_space<hbm>> -> memref<262144x128xf32, #tpu.memory_space<hbm>>
    %dma_start3A_458 = tpu.memref_slice %arg7[%dma_start3A_448] : memref<3x!tpu.dma_semaphore, #tpu.memory_space<semaphore_mem>> -> memref<1x!tpu.dma_semaphore, #tpu.memory_space<semaphore_mem>>
    %dma_start3A_459 = tpu.memref_squeeze %dma_start3A_458 : memref<1x!tpu.dma_semaphore, #tpu.memory_space<semaphore_mem>> -> memref<!tpu.dma_semaphore, #tpu.memory_space<semaphore_mem>>
    tpu.enqueue_indirect_dma source(%dma_start3A_457 : memref<262144x128xf32, #tpu.memory_space<hbm>>) target(%dma_start3A_452 : memref<256x128xf32, #tpu.memory_space<vmem>>) offsets(%dma_start3A_454 : memref<256xi32, #tpu.memory_space<vmem>>) semaphore(%dma_start3A_459 : memref<!tpu.dma_semaphore, #tpu.memory_space<semaphore_mem>>)
    %dma_wait3A_460 = arith.constant 1 : i32
    %dma_wait3A_461 = arith.constant 1 : i32
    %dma_wait3A_462 = arith.constant 0 : i32
    %dma_wait3A_463 = arith.constant 0 : i32
    %dma_wait3A_464 = tpu.memref_slice %arg6[%dma_wait3A_460, %dma_wait3A_462, %dma_wait3A_463] : memref<3x256x128xf32, #tpu.memory_space<vmem>> -> memref<1x256x128xf32, #tpu.memory_space<vmem>>
    %dma_wait3A_465 = tpu.memref_squeeze %dma_wait3A_464 : memref<1x256x128xf32, #tpu.memory_space<vmem>> -> memref<256x128xf32, #tpu.memory_space<vmem>>
    %dma_wait3A_466 = arith.constant 1792 : i32
    %dma_wait3A_467 = tpu.memref_slice %arg5[%dma_wait3A_466] : memref<4096xi32, #tpu.memory_space<vmem>> -> memref<256xi32, #tpu.memory_space<vmem>>
    %dma_wait3A_468 = arith.constant 0 : i32
    %dma_wait3A_469 = arith.constant 0 : i32
    %dma_wait3A_470 = tpu.memref_slice %arg2[%dma_wait3A_468, %dma_wait3A_469] : memref<262144x128xf32, #tpu.memory_space<hbm>> -> memref<262144x128xf32, #tpu.memory_space<hbm>>
    %dma_wait3A_471 = tpu.memref_slice %arg7[%dma_wait3A_461] : memref<3x!tpu.dma_semaphore, #tpu.memory_space<semaphore_mem>> -> memref<1x!tpu.dma_semaphore, #tpu.memory_space<semaphore_mem>>
    %dma_wait3A_472 = tpu.memref_squeeze %dma_wait3A_471 : memref<1x!tpu.dma_semaphore, #tpu.memory_space<semaphore_mem>> -> memref<!tpu.dma_semaphore, #tpu.memory_space<semaphore_mem>>
    tpu.wait_indirect_dma semaphore(%dma_wait3A_472 : memref<!tpu.dma_semaphore, #tpu.memory_space<semaphore_mem>>) src(%dma_wait3A_470 : memref<262144x128xf32, #tpu.memory_space<hbm>>) dst(%dma_wait3A_465 : memref<256x128xf32, #tpu.memory_space<vmem>>)
    %add3A_473 = arith.constant 1792 : i32
    %add3A_474 = arith.addi %mul3A_2, %add3A_473 : i32
    %dma_start3A_475 = arith.constant 1 : i32
    %dma_start3A_476 = arith.constant 1 : i32
    %dma_start3A_477 = arith.constant 0 : i32
    %dma_start3A_478 = arith.constant 0 : i32
    %dma_start3A_479 = tpu.memref_slice %arg6[%dma_start3A_475, %dma_start3A_477, %dma_start3A_478] : memref<3x256x128xf32, #tpu.memory_space<vmem>> -> memref<1x256x128xf32, #tpu.memory_space<vmem>>
    %dma_start3A_480 = tpu.memref_squeeze %dma_start3A_479 : memref<1x256x128xf32, #tpu.memory_space<vmem>> -> memref<256x128xf32, #tpu.memory_space<vmem>>
    %dma_start3A_481 = arith.constant 0 : i32
    %dma_start3A_482 = tpu.memref_slice %arg4[%add3A_474, %dma_start3A_481] : memref<131072x128xf32, #tpu.memory_space<hbm>> -> memref<256x128xf32, #tpu.memory_space<hbm>>
    %dma_start3A_483 = tpu.memref_slice %arg8[%dma_start3A_476] : memref<3x!tpu.dma_semaphore, #tpu.memory_space<semaphore_mem>> -> memref<1x!tpu.dma_semaphore, #tpu.memory_space<semaphore_mem>>
    %dma_start3A_484 = tpu.memref_squeeze %dma_start3A_483 : memref<1x!tpu.dma_semaphore, #tpu.memory_space<semaphore_mem>> -> memref<!tpu.dma_semaphore, #tpu.memory_space<semaphore_mem>>
    %dma_start3A_485 = arith.constant 0 : i32
    %dma_start3A_486 = tpu.memref_slice %arg4[%add3A_474, %dma_start3A_485] : memref<131072x128xf32, #tpu.memory_space<hbm>> -> memref<256x128xf32, #tpu.memory_space<hbm>>
    %dma_start3A_487 = arith.constant 0 : i32
    %dma_start3A_488 = arith.constant 0 : i32
    %dma_start3A_489 = tpu.memref_slice %arg6[%dma_start3A_475, %dma_start3A_487, %dma_start3A_488] : memref<3x256x128xf32, #tpu.memory_space<vmem>> -> memref<1x256x128xf32, #tpu.memory_space<vmem>>
    %dma_start3A_490 = tpu.memref_squeeze %dma_start3A_489 : memref<1x256x128xf32, #tpu.memory_space<vmem>> -> memref<256x128xf32, #tpu.memory_space<vmem>>
    tpu.enqueue_dma source(%dma_start3A_490 : memref<256x128xf32, #tpu.memory_space<vmem>>) target(%dma_start3A_486 : memref<256x128xf32, #tpu.memory_space<hbm>>) target_semaphore(%dma_start3A_484 : memref<!tpu.dma_semaphore, #tpu.memory_space<semaphore_mem>>)
    %dma_wait3A_491 = arith.constant 1 : i32
    %dma_wait3A_492 = arith.constant 1 : i32
    %dma_wait3A_493 = arith.constant 0 : i32
    %dma_wait3A_494 = arith.constant 0 : i32
    %dma_wait3A_495 = tpu.memref_slice %arg6[%dma_wait3A_491, %dma_wait3A_493, %dma_wait3A_494] : memref<3x256x128xf32, #tpu.memory_space<vmem>> -> memref<1x256x128xf32, #tpu.memory_space<vmem>>
    %dma_wait3A_496 = tpu.memref_squeeze %dma_wait3A_495 : memref<1x256x128xf32, #tpu.memory_space<vmem>> -> memref<256x128xf32, #tpu.memory_space<vmem>>
    %dma_wait3A_497 = arith.constant 0 : i32
    %dma_wait3A_498 = tpu.memref_slice %arg4[%add3A_474, %dma_wait3A_497] : memref<131072x128xf32, #tpu.memory_space<hbm>> -> memref<256x128xf32, #tpu.memory_space<hbm>>
    %dma_wait3A_499 = tpu.memref_slice %arg8[%dma_wait3A_492] : memref<3x!tpu.dma_semaphore, #tpu.memory_space<semaphore_mem>> -> memref<1x!tpu.dma_semaphore, #tpu.memory_space<semaphore_mem>>
    %dma_wait3A_500 = tpu.memref_squeeze %dma_wait3A_499 : memref<1x!tpu.dma_semaphore, #tpu.memory_space<semaphore_mem>> -> memref<!tpu.dma_semaphore, #tpu.memory_space<semaphore_mem>>
    %dma_wait3A_501 = arith.constant 0 : i32
    %dma_wait3A_502 = tpu.memref_slice %arg4[%add3A_474, %dma_wait3A_501] : memref<131072x128xf32, #tpu.memory_space<hbm>> -> memref<256x128xf32, #tpu.memory_space<hbm>>
    %dma_wait3A_503 = arith.constant 0 : i32
    %dma_wait3A_504 = arith.constant 0 : i32
    %dma_wait3A_505 = tpu.memref_slice %arg6[%dma_wait3A_491, %dma_wait3A_503, %dma_wait3A_504] : memref<3x256x128xf32, #tpu.memory_space<vmem>> -> memref<1x256x128xf32, #tpu.memory_space<vmem>>
    %dma_wait3A_506 = tpu.memref_squeeze %dma_wait3A_505 : memref<1x256x128xf32, #tpu.memory_space<vmem>> -> memref<256x128xf32, #tpu.memory_space<vmem>>
    tpu.wait_dma2 semaphore(%dma_wait3A_500 : memref<!tpu.dma_semaphore, #tpu.memory_space<semaphore_mem>>) src(%dma_wait3A_506 : memref<256x128xf32, #tpu.memory_space<vmem>>) dst(%dma_wait3A_502 : memref<256x128xf32, #tpu.memory_space<hbm>>)
    %dma_start3A_507 = arith.constant 1 : i32
    %dma_start3A_508 = arith.constant 1 : i32
    %dma_start3A_509 = arith.constant 0 : i32
    %dma_start3A_510 = arith.constant 0 : i32
    %dma_start3A_511 = tpu.memref_slice %arg6[%dma_start3A_507, %dma_start3A_509, %dma_start3A_510] : memref<3x256x128xf32, #tpu.memory_space<vmem>> -> memref<1x256x128xf32, #tpu.memory_space<vmem>>
    %dma_start3A_512 = tpu.memref_squeeze %dma_start3A_511 : memref<1x256x128xf32, #tpu.memory_space<vmem>> -> memref<256x128xf32, #tpu.memory_space<vmem>>
    %dma_start3A_513 = arith.constant 2560 : i32
    %dma_start3A_514 = tpu.memref_slice %arg5[%dma_start3A_513] : memref<4096xi32, #tpu.memory_space<vmem>> -> memref<256xi32, #tpu.memory_space<vmem>>
    %dma_start3A_515 = arith.constant 0 : i32
    %dma_start3A_516 = arith.constant 0 : i32
    %dma_start3A_517 = tpu.memref_slice %arg2[%dma_start3A_515, %dma_start3A_516] : memref<262144x128xf32, #tpu.memory_space<hbm>> -> memref<262144x128xf32, #tpu.memory_space<hbm>>
    %dma_start3A_518 = tpu.memref_slice %arg7[%dma_start3A_508] : memref<3x!tpu.dma_semaphore, #tpu.memory_space<semaphore_mem>> -> memref<1x!tpu.dma_semaphore, #tpu.memory_space<semaphore_mem>>
    %dma_start3A_519 = tpu.memref_squeeze %dma_start3A_518 : memref<1x!tpu.dma_semaphore, #tpu.memory_space<semaphore_mem>> -> memref<!tpu.dma_semaphore, #tpu.memory_space<semaphore_mem>>
    tpu.enqueue_indirect_dma source(%dma_start3A_517 : memref<262144x128xf32, #tpu.memory_space<hbm>>) target(%dma_start3A_512 : memref<256x128xf32, #tpu.memory_space<vmem>>) offsets(%dma_start3A_514 : memref<256xi32, #tpu.memory_space<vmem>>) semaphore(%dma_start3A_519 : memref<!tpu.dma_semaphore, #tpu.memory_space<semaphore_mem>>)
    %dma_wait3A_520 = arith.constant 2 : i32
    %dma_wait3A_521 = arith.constant 2 : i32
    %dma_wait3A_522 = arith.constant 0 : i32
    %dma_wait3A_523 = arith.constant 0 : i32
    %dma_wait3A_524 = tpu.memref_slice %arg6[%dma_wait3A_520, %dma_wait3A_522, %dma_wait3A_523] : memref<3x256x128xf32, #tpu.memory_space<vmem>> -> memref<1x256x128xf32, #tpu.memory_space<vmem>>
    %dma_wait3A_525 = tpu.memref_squeeze %dma_wait3A_524 : memref<1x256x128xf32, #tpu.memory_space<vmem>> -> memref<256x128xf32, #tpu.memory_space<vmem>>
    %dma_wait3A_526 = arith.constant 2048 : i32
    %dma_wait3A_527 = tpu.memref_slice %arg5[%dma_wait3A_526] : memref<4096xi32, #tpu.memory_space<vmem>> -> memref<256xi32, #tpu.memory_space<vmem>>
    %dma_wait3A_528 = arith.constant 0 : i32
    %dma_wait3A_529 = arith.constant 0 : i32
    %dma_wait3A_530 = tpu.memref_slice %arg2[%dma_wait3A_528, %dma_wait3A_529] : memref<262144x128xf32, #tpu.memory_space<hbm>> -> memref<262144x128xf32, #tpu.memory_space<hbm>>
    %dma_wait3A_531 = tpu.memref_slice %arg7[%dma_wait3A_521] : memref<3x!tpu.dma_semaphore, #tpu.memory_space<semaphore_mem>> -> memref<1x!tpu.dma_semaphore, #tpu.memory_space<semaphore_mem>>
    %dma_wait3A_532 = tpu.memref_squeeze %dma_wait3A_531 : memref<1x!tpu.dma_semaphore, #tpu.memory_space<semaphore_mem>> -> memref<!tpu.dma_semaphore, #tpu.memory_space<semaphore_mem>>
    tpu.wait_indirect_dma semaphore(%dma_wait3A_532 : memref<!tpu.dma_semaphore, #tpu.memory_space<semaphore_mem>>) src(%dma_wait3A_530 : memref<262144x128xf32, #tpu.memory_space<hbm>>) dst(%dma_wait3A_525 : memref<256x128xf32, #tpu.memory_space<vmem>>)
    %add3A_533 = arith.constant 2048 : i32
    %add3A_534 = arith.addi %mul3A_2, %add3A_533 : i32
    %dma_start3A_535 = arith.constant 2 : i32
    %dma_start3A_536 = arith.constant 2 : i32
    %dma_start3A_537 = arith.constant 0 : i32
    %dma_start3A_538 = arith.constant 0 : i32
    %dma_start3A_539 = tpu.memref_slice %arg6[%dma_start3A_535, %dma_start3A_537, %dma_start3A_538] : memref<3x256x128xf32, #tpu.memory_space<vmem>> -> memref<1x256x128xf32, #tpu.memory_space<vmem>>
    %dma_start3A_540 = tpu.memref_squeeze %dma_start3A_539 : memref<1x256x128xf32, #tpu.memory_space<vmem>> -> memref<256x128xf32, #tpu.memory_space<vmem>>
    %dma_start3A_541 = arith.constant 0 : i32
    %dma_start3A_542 = tpu.memref_slice %arg4[%add3A_534, %dma_start3A_541] : memref<131072x128xf32, #tpu.memory_space<hbm>> -> memref<256x128xf32, #tpu.memory_space<hbm>>
    %dma_start3A_543 = tpu.memref_slice %arg8[%dma_start3A_536] : memref<3x!tpu.dma_semaphore, #tpu.memory_space<semaphore_mem>> -> memref<1x!tpu.dma_semaphore, #tpu.memory_space<semaphore_mem>>
    %dma_start3A_544 = tpu.memref_squeeze %dma_start3A_543 : memref<1x!tpu.dma_semaphore, #tpu.memory_space<semaphore_mem>> -> memref<!tpu.dma_semaphore, #tpu.memory_space<semaphore_mem>>
    %dma_start3A_545 = arith.constant 0 : i32
    %dma_start3A_546 = tpu.memref_slice %arg4[%add3A_534, %dma_start3A_545] : memref<131072x128xf32, #tpu.memory_space<hbm>> -> memref<256x128xf32, #tpu.memory_space<hbm>>
    %dma_start3A_547 = arith.constant 0 : i32
    %dma_start3A_548 = arith.constant 0 : i32
    %dma_start3A_549 = tpu.memref_slice %arg6[%dma_start3A_535, %dma_start3A_547, %dma_start3A_548] : memref<3x256x128xf32, #tpu.memory_space<vmem>> -> memref<1x256x128xf32, #tpu.memory_space<vmem>>
    %dma_start3A_550 = tpu.memref_squeeze %dma_start3A_549 : memref<1x256x128xf32, #tpu.memory_space<vmem>> -> memref<256x128xf32, #tpu.memory_space<vmem>>
    tpu.enqueue_dma source(%dma_start3A_550 : memref<256x128xf32, #tpu.memory_space<vmem>>) target(%dma_start3A_546 : memref<256x128xf32, #tpu.memory_space<hbm>>) target_semaphore(%dma_start3A_544 : memref<!tpu.dma_semaphore, #tpu.memory_space<semaphore_mem>>)
    %dma_wait3A_551 = arith.constant 2 : i32
    %dma_wait3A_552 = arith.constant 2 : i32
    %dma_wait3A_553 = arith.constant 0 : i32
    %dma_wait3A_554 = arith.constant 0 : i32
    %dma_wait3A_555 = tpu.memref_slice %arg6[%dma_wait3A_551, %dma_wait3A_553, %dma_wait3A_554] : memref<3x256x128xf32, #tpu.memory_space<vmem>> -> memref<1x256x128xf32, #tpu.memory_space<vmem>>
    %dma_wait3A_556 = tpu.memref_squeeze %dma_wait3A_555 : memref<1x256x128xf32, #tpu.memory_space<vmem>> -> memref<256x128xf32, #tpu.memory_space<vmem>>
    %dma_wait3A_557 = arith.constant 0 : i32
    %dma_wait3A_558 = tpu.memref_slice %arg4[%add3A_534, %dma_wait3A_557] : memref<131072x128xf32, #tpu.memory_space<hbm>> -> memref<256x128xf32, #tpu.memory_space<hbm>>
    %dma_wait3A_559 = tpu.memref_slice %arg8[%dma_wait3A_552] : memref<3x!tpu.dma_semaphore, #tpu.memory_space<semaphore_mem>> -> memref<1x!tpu.dma_semaphore, #tpu.memory_space<semaphore_mem>>
    %dma_wait3A_560 = tpu.memref_squeeze %dma_wait3A_559 : memref<1x!tpu.dma_semaphore, #tpu.memory_space<semaphore_mem>> -> memref<!tpu.dma_semaphore, #tpu.memory_space<semaphore_mem>>
    %dma_wait3A_561 = arith.constant 0 : i32
    %dma_wait3A_562 = tpu.memref_slice %arg4[%add3A_534, %dma_wait3A_561] : memref<131072x128xf32, #tpu.memory_space<hbm>> -> memref<256x128xf32, #tpu.memory_space<hbm>>
    %dma_wait3A_563 = arith.constant 0 : i32
    %dma_wait3A_564 = arith.constant 0 : i32
    %dma_wait3A_565 = tpu.memref_slice %arg6[%dma_wait3A_551, %dma_wait3A_563, %dma_wait3A_564] : memref<3x256x128xf32, #tpu.memory_space<vmem>> -> memref<1x256x128xf32, #tpu.memory_space<vmem>>
    %dma_wait3A_566 = tpu.memref_squeeze %dma_wait3A_565 : memref<1x256x128xf32, #tpu.memory_space<vmem>> -> memref<256x128xf32, #tpu.memory_space<vmem>>
    tpu.wait_dma2 semaphore(%dma_wait3A_560 : memref<!tpu.dma_semaphore, #tpu.memory_space<semaphore_mem>>) src(%dma_wait3A_566 : memref<256x128xf32, #tpu.memory_space<vmem>>) dst(%dma_wait3A_562 : memref<256x128xf32, #tpu.memory_space<hbm>>)
    %dma_start3A_567 = arith.constant 2 : i32
    %dma_start3A_568 = arith.constant 2 : i32
    %dma_start3A_569 = arith.constant 0 : i32
    %dma_start3A_570 = arith.constant 0 : i32
    %dma_start3A_571 = tpu.memref_slice %arg6[%dma_start3A_567, %dma_start3A_569, %dma_start3A_570] : memref<3x256x128xf32, #tpu.memory_space<vmem>> -> memref<1x256x128xf32, #tpu.memory_space<vmem>>
    %dma_start3A_572 = tpu.memref_squeeze %dma_start3A_571 : memref<1x256x128xf32, #tpu.memory_space<vmem>> -> memref<256x128xf32, #tpu.memory_space<vmem>>
    %dma_start3A_573 = arith.constant 2816 : i32
    %dma_start3A_574 = tpu.memref_slice %arg5[%dma_start3A_573] : memref<4096xi32, #tpu.memory_space<vmem>> -> memref<256xi32, #tpu.memory_space<vmem>>
    %dma_start3A_575 = arith.constant 0 : i32
    %dma_start3A_576 = arith.constant 0 : i32
    %dma_start3A_577 = tpu.memref_slice %arg2[%dma_start3A_575, %dma_start3A_576] : memref<262144x128xf32, #tpu.memory_space<hbm>> -> memref<262144x128xf32, #tpu.memory_space<hbm>>
    %dma_start3A_578 = tpu.memref_slice %arg7[%dma_start3A_568] : memref<3x!tpu.dma_semaphore, #tpu.memory_space<semaphore_mem>> -> memref<1x!tpu.dma_semaphore, #tpu.memory_space<semaphore_mem>>
    %dma_start3A_579 = tpu.memref_squeeze %dma_start3A_578 : memref<1x!tpu.dma_semaphore, #tpu.memory_space<semaphore_mem>> -> memref<!tpu.dma_semaphore, #tpu.memory_space<semaphore_mem>>
    tpu.enqueue_indirect_dma source(%dma_start3A_577 : memref<262144x128xf32, #tpu.memory_space<hbm>>) target(%dma_start3A_572 : memref<256x128xf32, #tpu.memory_space<vmem>>) offsets(%dma_start3A_574 : memref<256xi32, #tpu.memory_space<vmem>>) semaphore(%dma_start3A_579 : memref<!tpu.dma_semaphore, #tpu.memory_space<semaphore_mem>>)
    %dma_wait3A_580 = arith.constant 0 : i32
    %dma_wait3A_581 = arith.constant 0 : i32
    %dma_wait3A_582 = arith.constant 0 : i32
    %dma_wait3A_583 = arith.constant 0 : i32
    %dma_wait3A_584 = tpu.memref_slice %arg6[%dma_wait3A_580, %dma_wait3A_582, %dma_wait3A_583] : memref<3x256x128xf32, #tpu.memory_space<vmem>> -> memref<1x256x128xf32, #tpu.memory_space<vmem>>
    %dma_wait3A_585 = tpu.memref_squeeze %dma_wait3A_584 : memref<1x256x128xf32, #tpu.memory_space<vmem>> -> memref<256x128xf32, #tpu.memory_space<vmem>>
    %dma_wait3A_586 = arith.constant 2304 : i32
    %dma_wait3A_587 = tpu.memref_slice %arg5[%dma_wait3A_586] : memref<4096xi32, #tpu.memory_space<vmem>> -> memref<256xi32, #tpu.memory_space<vmem>>
    %dma_wait3A_588 = arith.constant 0 : i32
    %dma_wait3A_589 = arith.constant 0 : i32
    %dma_wait3A_590 = tpu.memref_slice %arg2[%dma_wait3A_588, %dma_wait3A_589] : memref<262144x128xf32, #tpu.memory_space<hbm>> -> memref<262144x128xf32, #tpu.memory_space<hbm>>
    %dma_wait3A_591 = tpu.memref_slice %arg7[%dma_wait3A_581] : memref<3x!tpu.dma_semaphore, #tpu.memory_space<semaphore_mem>> -> memref<1x!tpu.dma_semaphore, #tpu.memory_space<semaphore_mem>>
    %dma_wait3A_592 = tpu.memref_squeeze %dma_wait3A_591 : memref<1x!tpu.dma_semaphore, #tpu.memory_space<semaphore_mem>> -> memref<!tpu.dma_semaphore, #tpu.memory_space<semaphore_mem>>
    tpu.wait_indirect_dma semaphore(%dma_wait3A_592 : memref<!tpu.dma_semaphore, #tpu.memory_space<semaphore_mem>>) src(%dma_wait3A_590 : memref<262144x128xf32, #tpu.memory_space<hbm>>) dst(%dma_wait3A_585 : memref<256x128xf32, #tpu.memory_space<vmem>>)
    %add3A_593 = arith.constant 2304 : i32
    %add3A_594 = arith.addi %mul3A_2, %add3A_593 : i32
    %dma_start3A_595 = arith.constant 0 : i32
    %dma_start3A_596 = arith.constant 0 : i32
    %dma_start3A_597 = arith.constant 0 : i32
    %dma_start3A_598 = arith.constant 0 : i32
    %dma_start3A_599 = tpu.memref_slice %arg6[%dma_start3A_595, %dma_start3A_597, %dma_start3A_598] : memref<3x256x128xf32, #tpu.memory_space<vmem>> -> memref<1x256x128xf32, #tpu.memory_space<vmem>>
    %dma_start3A_600 = tpu.memref_squeeze %dma_start3A_599 : memref<1x256x128xf32, #tpu.memory_space<vmem>> -> memref<256x128xf32, #tpu.memory_space<vmem>>
    %dma_start3A_601 = arith.constant 0 : i32
    %dma_start3A_602 = tpu.memref_slice %arg4[%add3A_594, %dma_start3A_601] : memref<131072x128xf32, #tpu.memory_space<hbm>> -> memref<256x128xf32, #tpu.memory_space<hbm>>
    %dma_start3A_603 = tpu.memref_slice %arg8[%dma_start3A_596] : memref<3x!tpu.dma_semaphore, #tpu.memory_space<semaphore_mem>> -> memref<1x!tpu.dma_semaphore, #tpu.memory_space<semaphore_mem>>
    %dma_start3A_604 = tpu.memref_squeeze %dma_start3A_603 : memref<1x!tpu.dma_semaphore, #tpu.memory_space<semaphore_mem>> -> memref<!tpu.dma_semaphore, #tpu.memory_space<semaphore_mem>>
    %dma_start3A_605 = arith.constant 0 : i32
    %dma_start3A_606 = tpu.memref_slice %arg4[%add3A_594, %dma_start3A_605] : memref<131072x128xf32, #tpu.memory_space<hbm>> -> memref<256x128xf32, #tpu.memory_space<hbm>>
    %dma_start3A_607 = arith.constant 0 : i32
    %dma_start3A_608 = arith.constant 0 : i32
    %dma_start3A_609 = tpu.memref_slice %arg6[%dma_start3A_595, %dma_start3A_607, %dma_start3A_608] : memref<3x256x128xf32, #tpu.memory_space<vmem>> -> memref<1x256x128xf32, #tpu.memory_space<vmem>>
    %dma_start3A_610 = tpu.memref_squeeze %dma_start3A_609 : memref<1x256x128xf32, #tpu.memory_space<vmem>> -> memref<256x128xf32, #tpu.memory_space<vmem>>
    tpu.enqueue_dma source(%dma_start3A_610 : memref<256x128xf32, #tpu.memory_space<vmem>>) target(%dma_start3A_606 : memref<256x128xf32, #tpu.memory_space<hbm>>) target_semaphore(%dma_start3A_604 : memref<!tpu.dma_semaphore, #tpu.memory_space<semaphore_mem>>)
    %dma_wait3A_611 = arith.constant 0 : i32
    %dma_wait3A_612 = arith.constant 0 : i32
    %dma_wait3A_613 = arith.constant 0 : i32
    %dma_wait3A_614 = arith.constant 0 : i32
    %dma_wait3A_615 = tpu.memref_slice %arg6[%dma_wait3A_611, %dma_wait3A_613, %dma_wait3A_614] : memref<3x256x128xf32, #tpu.memory_space<vmem>> -> memref<1x256x128xf32, #tpu.memory_space<vmem>>
    %dma_wait3A_616 = tpu.memref_squeeze %dma_wait3A_615 : memref<1x256x128xf32, #tpu.memory_space<vmem>> -> memref<256x128xf32, #tpu.memory_space<vmem>>
    %dma_wait3A_617 = arith.constant 0 : i32
    %dma_wait3A_618 = tpu.memref_slice %arg4[%add3A_594, %dma_wait3A_617] : memref<131072x128xf32, #tpu.memory_space<hbm>> -> memref<256x128xf32, #tpu.memory_space<hbm>>
    %dma_wait3A_619 = tpu.memref_slice %arg8[%dma_wait3A_612] : memref<3x!tpu.dma_semaphore, #tpu.memory_space<semaphore_mem>> -> memref<1x!tpu.dma_semaphore, #tpu.memory_space<semaphore_mem>>
    %dma_wait3A_620 = tpu.memref_squeeze %dma_wait3A_619 : memref<1x!tpu.dma_semaphore, #tpu.memory_space<semaphore_mem>> -> memref<!tpu.dma_semaphore, #tpu.memory_space<semaphore_mem>>
    %dma_wait3A_621 = arith.constant 0 : i32
    %dma_wait3A_622 = tpu.memref_slice %arg4[%add3A_594, %dma_wait3A_621] : memref<131072x128xf32, #tpu.memory_space<hbm>> -> memref<256x128xf32, #tpu.memory_space<hbm>>
    %dma_wait3A_623 = arith.constant 0 : i32
    %dma_wait3A_624 = arith.constant 0 : i32
    %dma_wait3A_625 = tpu.memref_slice %arg6[%dma_wait3A_611, %dma_wait3A_623, %dma_wait3A_624] : memref<3x256x128xf32, #tpu.memory_space<vmem>> -> memref<1x256x128xf32, #tpu.memory_space<vmem>>
    %dma_wait3A_626 = tpu.memref_squeeze %dma_wait3A_625 : memref<1x256x128xf32, #tpu.memory_space<vmem>> -> memref<256x128xf32, #tpu.memory_space<vmem>>
    tpu.wait_dma2 semaphore(%dma_wait3A_620 : memref<!tpu.dma_semaphore, #tpu.memory_space<semaphore_mem>>) src(%dma_wait3A_626 : memref<256x128xf32, #tpu.memory_space<vmem>>) dst(%dma_wait3A_622 : memref<256x128xf32, #tpu.memory_space<hbm>>)
    %dma_start3A_627 = arith.constant 0 : i32
    %dma_start3A_628 = arith.constant 0 : i32
    %dma_start3A_629 = arith.constant 0 : i32
    %dma_start3A_630 = arith.constant 0 : i32
    %dma_start3A_631 = tpu.memref_slice %arg6[%dma_start3A_627, %dma_start3A_629, %dma_start3A_630] : memref<3x256x128xf32, #tpu.memory_space<vmem>> -> memref<1x256x128xf32, #tpu.memory_space<vmem>>
    %dma_start3A_632 = tpu.memref_squeeze %dma_start3A_631 : memref<1x256x128xf32, #tpu.memory_space<vmem>> -> memref<256x128xf32, #tpu.memory_space<vmem>>
    %dma_start3A_633 = arith.constant 3072 : i32
    %dma_start3A_634 = tpu.memref_slice %arg5[%dma_start3A_633] : memref<4096xi32, #tpu.memory_space<vmem>> -> memref<256xi32, #tpu.memory_space<vmem>>
    %dma_start3A_635 = arith.constant 0 : i32
    %dma_start3A_636 = arith.constant 0 : i32
    %dma_start3A_637 = tpu.memref_slice %arg2[%dma_start3A_635, %dma_start3A_636] : memref<262144x128xf32, #tpu.memory_space<hbm>> -> memref<262144x128xf32, #tpu.memory_space<hbm>>
    %dma_start3A_638 = tpu.memref_slice %arg7[%dma_start3A_628] : memref<3x!tpu.dma_semaphore, #tpu.memory_space<semaphore_mem>> -> memref<1x!tpu.dma_semaphore, #tpu.memory_space<semaphore_mem>>
    %dma_start3A_639 = tpu.memref_squeeze %dma_start3A_638 : memref<1x!tpu.dma_semaphore, #tpu.memory_space<semaphore_mem>> -> memref<!tpu.dma_semaphore, #tpu.memory_space<semaphore_mem>>
    tpu.enqueue_indirect_dma source(%dma_start3A_637 : memref<262144x128xf32, #tpu.memory_space<hbm>>) target(%dma_start3A_632 : memref<256x128xf32, #tpu.memory_space<vmem>>) offsets(%dma_start3A_634 : memref<256xi32, #tpu.memory_space<vmem>>) semaphore(%dma_start3A_639 : memref<!tpu.dma_semaphore, #tpu.memory_space<semaphore_mem>>)
    %dma_wait3A_640 = arith.constant 1 : i32
    %dma_wait3A_641 = arith.constant 1 : i32
    %dma_wait3A_642 = arith.constant 0 : i32
    %dma_wait3A_643 = arith.constant 0 : i32
    %dma_wait3A_644 = tpu.memref_slice %arg6[%dma_wait3A_640, %dma_wait3A_642, %dma_wait3A_643] : memref<3x256x128xf32, #tpu.memory_space<vmem>> -> memref<1x256x128xf32, #tpu.memory_space<vmem>>
    %dma_wait3A_645 = tpu.memref_squeeze %dma_wait3A_644 : memref<1x256x128xf32, #tpu.memory_space<vmem>> -> memref<256x128xf32, #tpu.memory_space<vmem>>
    %dma_wait3A_646 = arith.constant 2560 : i32
    %dma_wait3A_647 = tpu.memref_slice %arg5[%dma_wait3A_646] : memref<4096xi32, #tpu.memory_space<vmem>> -> memref<256xi32, #tpu.memory_space<vmem>>
    %dma_wait3A_648 = arith.constant 0 : i32
    %dma_wait3A_649 = arith.constant 0 : i32
    %dma_wait3A_650 = tpu.memref_slice %arg2[%dma_wait3A_648, %dma_wait3A_649] : memref<262144x128xf32, #tpu.memory_space<hbm>> -> memref<262144x128xf32, #tpu.memory_space<hbm>>
    %dma_wait3A_651 = tpu.memref_slice %arg7[%dma_wait3A_641] : memref<3x!tpu.dma_semaphore, #tpu.memory_space<semaphore_mem>> -> memref<1x!tpu.dma_semaphore, #tpu.memory_space<semaphore_mem>>
    %dma_wait3A_652 = tpu.memref_squeeze %dma_wait3A_651 : memref<1x!tpu.dma_semaphore, #tpu.memory_space<semaphore_mem>> -> memref<!tpu.dma_semaphore, #tpu.memory_space<semaphore_mem>>
    tpu.wait_indirect_dma semaphore(%dma_wait3A_652 : memref<!tpu.dma_semaphore, #tpu.memory_space<semaphore_mem>>) src(%dma_wait3A_650 : memref<262144x128xf32, #tpu.memory_space<hbm>>) dst(%dma_wait3A_645 : memref<256x128xf32, #tpu.memory_space<vmem>>)
    %add3A_653 = arith.constant 2560 : i32
    %add3A_654 = arith.addi %mul3A_2, %add3A_653 : i32
    %dma_start3A_655 = arith.constant 1 : i32
    %dma_start3A_656 = arith.constant 1 : i32
    %dma_start3A_657 = arith.constant 0 : i32
    %dma_start3A_658 = arith.constant 0 : i32
    %dma_start3A_659 = tpu.memref_slice %arg6[%dma_start3A_655, %dma_start3A_657, %dma_start3A_658] : memref<3x256x128xf32, #tpu.memory_space<vmem>> -> memref<1x256x128xf32, #tpu.memory_space<vmem>>
    %dma_start3A_660 = tpu.memref_squeeze %dma_start3A_659 : memref<1x256x128xf32, #tpu.memory_space<vmem>> -> memref<256x128xf32, #tpu.memory_space<vmem>>
    %dma_start3A_661 = arith.constant 0 : i32
    %dma_start3A_662 = tpu.memref_slice %arg4[%add3A_654, %dma_start3A_661] : memref<131072x128xf32, #tpu.memory_space<hbm>> -> memref<256x128xf32, #tpu.memory_space<hbm>>
    %dma_start3A_663 = tpu.memref_slice %arg8[%dma_start3A_656] : memref<3x!tpu.dma_semaphore, #tpu.memory_space<semaphore_mem>> -> memref<1x!tpu.dma_semaphore, #tpu.memory_space<semaphore_mem>>
    %dma_start3A_664 = tpu.memref_squeeze %dma_start3A_663 : memref<1x!tpu.dma_semaphore, #tpu.memory_space<semaphore_mem>> -> memref<!tpu.dma_semaphore, #tpu.memory_space<semaphore_mem>>
    %dma_start3A_665 = arith.constant 0 : i32
    %dma_start3A_666 = tpu.memref_slice %arg4[%add3A_654, %dma_start3A_665] : memref<131072x128xf32, #tpu.memory_space<hbm>> -> memref<256x128xf32, #tpu.memory_space<hbm>>
    %dma_start3A_667 = arith.constant 0 : i32
    %dma_start3A_668 = arith.constant 0 : i32
    %dma_start3A_669 = tpu.memref_slice %arg6[%dma_start3A_655, %dma_start3A_667, %dma_start3A_668] : memref<3x256x128xf32, #tpu.memory_space<vmem>> -> memref<1x256x128xf32, #tpu.memory_space<vmem>>
    %dma_start3A_670 = tpu.memref_squeeze %dma_start3A_669 : memref<1x256x128xf32, #tpu.memory_space<vmem>> -> memref<256x128xf32, #tpu.memory_space<vmem>>
    tpu.enqueue_dma source(%dma_start3A_670 : memref<256x128xf32, #tpu.memory_space<vmem>>) target(%dma_start3A_666 : memref<256x128xf32, #tpu.memory_space<hbm>>) target_semaphore(%dma_start3A_664 : memref<!tpu.dma_semaphore, #tpu.memory_space<semaphore_mem>>)
    %dma_wait3A_671 = arith.constant 1 : i32
    %dma_wait3A_672 = arith.constant 1 : i32
    %dma_wait3A_673 = arith.constant 0 : i32
    %dma_wait3A_674 = arith.constant 0 : i32
    %dma_wait3A_675 = tpu.memref_slice %arg6[%dma_wait3A_671, %dma_wait3A_673, %dma_wait3A_674] : memref<3x256x128xf32, #tpu.memory_space<vmem>> -> memref<1x256x128xf32, #tpu.memory_space<vmem>>
    %dma_wait3A_676 = tpu.memref_squeeze %dma_wait3A_675 : memref<1x256x128xf32, #tpu.memory_space<vmem>> -> memref<256x128xf32, #tpu.memory_space<vmem>>
    %dma_wait3A_677 = arith.constant 0 : i32
    %dma_wait3A_678 = tpu.memref_slice %arg4[%add3A_654, %dma_wait3A_677] : memref<131072x128xf32, #tpu.memory_space<hbm>> -> memref<256x128xf32, #tpu.memory_space<hbm>>
    %dma_wait3A_679 = tpu.memref_slice %arg8[%dma_wait3A_672] : memref<3x!tpu.dma_semaphore, #tpu.memory_space<semaphore_mem>> -> memref<1x!tpu.dma_semaphore, #tpu.memory_space<semaphore_mem>>
    %dma_wait3A_680 = tpu.memref_squeeze %dma_wait3A_679 : memref<1x!tpu.dma_semaphore, #tpu.memory_space<semaphore_mem>> -> memref<!tpu.dma_semaphore, #tpu.memory_space<semaphore_mem>>
    %dma_wait3A_681 = arith.constant 0 : i32
    %dma_wait3A_682 = tpu.memref_slice %arg4[%add3A_654, %dma_wait3A_681] : memref<131072x128xf32, #tpu.memory_space<hbm>> -> memref<256x128xf32, #tpu.memory_space<hbm>>
    %dma_wait3A_683 = arith.constant 0 : i32
    %dma_wait3A_684 = arith.constant 0 : i32
    %dma_wait3A_685 = tpu.memref_slice %arg6[%dma_wait3A_671, %dma_wait3A_683, %dma_wait3A_684] : memref<3x256x128xf32, #tpu.memory_space<vmem>> -> memref<1x256x128xf32, #tpu.memory_space<vmem>>
    %dma_wait3A_686 = tpu.memref_squeeze %dma_wait3A_685 : memref<1x256x128xf32, #tpu.memory_space<vmem>> -> memref<256x128xf32, #tpu.memory_space<vmem>>
    tpu.wait_dma2 semaphore(%dma_wait3A_680 : memref<!tpu.dma_semaphore, #tpu.memory_space<semaphore_mem>>) src(%dma_wait3A_686 : memref<256x128xf32, #tpu.memory_space<vmem>>) dst(%dma_wait3A_682 : memref<256x128xf32, #tpu.memory_space<hbm>>)
    %dma_start3A_687 = arith.constant 1 : i32
    %dma_start3A_688 = arith.constant 1 : i32
    %dma_start3A_689 = arith.constant 0 : i32
    %dma_start3A_690 = arith.constant 0 : i32
    %dma_start3A_691 = tpu.memref_slice %arg6[%dma_start3A_687, %dma_start3A_689, %dma_start3A_690] : memref<3x256x128xf32, #tpu.memory_space<vmem>> -> memref<1x256x128xf32, #tpu.memory_space<vmem>>
    %dma_start3A_692 = tpu.memref_squeeze %dma_start3A_691 : memref<1x256x128xf32, #tpu.memory_space<vmem>> -> memref<256x128xf32, #tpu.memory_space<vmem>>
    %dma_start3A_693 = arith.constant 3328 : i32
    %dma_start3A_694 = tpu.memref_slice %arg5[%dma_start3A_693] : memref<4096xi32, #tpu.memory_space<vmem>> -> memref<256xi32, #tpu.memory_space<vmem>>
    %dma_start3A_695 = arith.constant 0 : i32
    %dma_start3A_696 = arith.constant 0 : i32
    %dma_start3A_697 = tpu.memref_slice %arg2[%dma_start3A_695, %dma_start3A_696] : memref<262144x128xf32, #tpu.memory_space<hbm>> -> memref<262144x128xf32, #tpu.memory_space<hbm>>
    %dma_start3A_698 = tpu.memref_slice %arg7[%dma_start3A_688] : memref<3x!tpu.dma_semaphore, #tpu.memory_space<semaphore_mem>> -> memref<1x!tpu.dma_semaphore, #tpu.memory_space<semaphore_mem>>
    %dma_start3A_699 = tpu.memref_squeeze %dma_start3A_698 : memref<1x!tpu.dma_semaphore, #tpu.memory_space<semaphore_mem>> -> memref<!tpu.dma_semaphore, #tpu.memory_space<semaphore_mem>>
    tpu.enqueue_indirect_dma source(%dma_start3A_697 : memref<262144x128xf32, #tpu.memory_space<hbm>>) target(%dma_start3A_692 : memref<256x128xf32, #tpu.memory_space<vmem>>) offsets(%dma_start3A_694 : memref<256xi32, #tpu.memory_space<vmem>>) semaphore(%dma_start3A_699 : memref<!tpu.dma_semaphore, #tpu.memory_space<semaphore_mem>>)
    %dma_wait3A_700 = arith.constant 2 : i32
    %dma_wait3A_701 = arith.constant 2 : i32
    %dma_wait3A_702 = arith.constant 0 : i32
    %dma_wait3A_703 = arith.constant 0 : i32
    %dma_wait3A_704 = tpu.memref_slice %arg6[%dma_wait3A_700, %dma_wait3A_702, %dma_wait3A_703] : memref<3x256x128xf32, #tpu.memory_space<vmem>> -> memref<1x256x128xf32, #tpu.memory_space<vmem>>
    %dma_wait3A_705 = tpu.memref_squeeze %dma_wait3A_704 : memref<1x256x128xf32, #tpu.memory_space<vmem>> -> memref<256x128xf32, #tpu.memory_space<vmem>>
    %dma_wait3A_706 = arith.constant 2816 : i32
    %dma_wait3A_707 = tpu.memref_slice %arg5[%dma_wait3A_706] : memref<4096xi32, #tpu.memory_space<vmem>> -> memref<256xi32, #tpu.memory_space<vmem>>
    %dma_wait3A_708 = arith.constant 0 : i32
    %dma_wait3A_709 = arith.constant 0 : i32
    %dma_wait3A_710 = tpu.memref_slice %arg2[%dma_wait3A_708, %dma_wait3A_709] : memref<262144x128xf32, #tpu.memory_space<hbm>> -> memref<262144x128xf32, #tpu.memory_space<hbm>>
    %dma_wait3A_711 = tpu.memref_slice %arg7[%dma_wait3A_701] : memref<3x!tpu.dma_semaphore, #tpu.memory_space<semaphore_mem>> -> memref<1x!tpu.dma_semaphore, #tpu.memory_space<semaphore_mem>>
    %dma_wait3A_712 = tpu.memref_squeeze %dma_wait3A_711 : memref<1x!tpu.dma_semaphore, #tpu.memory_space<semaphore_mem>> -> memref<!tpu.dma_semaphore, #tpu.memory_space<semaphore_mem>>
    tpu.wait_indirect_dma semaphore(%dma_wait3A_712 : memref<!tpu.dma_semaphore, #tpu.memory_space<semaphore_mem>>) src(%dma_wait3A_710 : memref<262144x128xf32, #tpu.memory_space<hbm>>) dst(%dma_wait3A_705 : memref<256x128xf32, #tpu.memory_space<vmem>>)
    %add3A_713 = arith.constant 2816 : i32
    %add3A_714 = arith.addi %mul3A_2, %add3A_713 : i32
    %dma_start3A_715 = arith.constant 2 : i32
    %dma_start3A_716 = arith.constant 2 : i32
    %dma_start3A_717 = arith.constant 0 : i32
    %dma_start3A_718 = arith.constant 0 : i32
    %dma_start3A_719 = tpu.memref_slice %arg6[%dma_start3A_715, %dma_start3A_717, %dma_start3A_718] : memref<3x256x128xf32, #tpu.memory_space<vmem>> -> memref<1x256x128xf32, #tpu.memory_space<vmem>>
    %dma_start3A_720 = tpu.memref_squeeze %dma_start3A_719 : memref<1x256x128xf32, #tpu.memory_space<vmem>> -> memref<256x128xf32, #tpu.memory_space<vmem>>
    %dma_start3A_721 = arith.constant 0 : i32
    %dma_start3A_722 = tpu.memref_slice %arg4[%add3A_714, %dma_start3A_721] : memref<131072x128xf32, #tpu.memory_space<hbm>> -> memref<256x128xf32, #tpu.memory_space<hbm>>
    %dma_start3A_723 = tpu.memref_slice %arg8[%dma_start3A_716] : memref<3x!tpu.dma_semaphore, #tpu.memory_space<semaphore_mem>> -> memref<1x!tpu.dma_semaphore, #tpu.memory_space<semaphore_mem>>
    %dma_start3A_724 = tpu.memref_squeeze %dma_start3A_723 : memref<1x!tpu.dma_semaphore, #tpu.memory_space<semaphore_mem>> -> memref<!tpu.dma_semaphore, #tpu.memory_space<semaphore_mem>>
    %dma_start3A_725 = arith.constant 0 : i32
    %dma_start3A_726 = tpu.memref_slice %arg4[%add3A_714, %dma_start3A_725] : memref<131072x128xf32, #tpu.memory_space<hbm>> -> memref<256x128xf32, #tpu.memory_space<hbm>>
    %dma_start3A_727 = arith.constant 0 : i32
    %dma_start3A_728 = arith.constant 0 : i32
    %dma_start3A_729 = tpu.memref_slice %arg6[%dma_start3A_715, %dma_start3A_727, %dma_start3A_728] : memref<3x256x128xf32, #tpu.memory_space<vmem>> -> memref<1x256x128xf32, #tpu.memory_space<vmem>>
    %dma_start3A_730 = tpu.memref_squeeze %dma_start3A_729 : memref<1x256x128xf32, #tpu.memory_space<vmem>> -> memref<256x128xf32, #tpu.memory_space<vmem>>
    tpu.enqueue_dma source(%dma_start3A_730 : memref<256x128xf32, #tpu.memory_space<vmem>>) target(%dma_start3A_726 : memref<256x128xf32, #tpu.memory_space<hbm>>) target_semaphore(%dma_start3A_724 : memref<!tpu.dma_semaphore, #tpu.memory_space<semaphore_mem>>)
    %dma_wait3A_731 = arith.constant 2 : i32
    %dma_wait3A_732 = arith.constant 2 : i32
    %dma_wait3A_733 = arith.constant 0 : i32
    %dma_wait3A_734 = arith.constant 0 : i32
    %dma_wait3A_735 = tpu.memref_slice %arg6[%dma_wait3A_731, %dma_wait3A_733, %dma_wait3A_734] : memref<3x256x128xf32, #tpu.memory_space<vmem>> -> memref<1x256x128xf32, #tpu.memory_space<vmem>>
    %dma_wait3A_736 = tpu.memref_squeeze %dma_wait3A_735 : memref<1x256x128xf32, #tpu.memory_space<vmem>> -> memref<256x128xf32, #tpu.memory_space<vmem>>
    %dma_wait3A_737 = arith.constant 0 : i32
    %dma_wait3A_738 = tpu.memref_slice %arg4[%add3A_714, %dma_wait3A_737] : memref<131072x128xf32, #tpu.memory_space<hbm>> -> memref<256x128xf32, #tpu.memory_space<hbm>>
    %dma_wait3A_739 = tpu.memref_slice %arg8[%dma_wait3A_732] : memref<3x!tpu.dma_semaphore, #tpu.memory_space<semaphore_mem>> -> memref<1x!tpu.dma_semaphore, #tpu.memory_space<semaphore_mem>>
    %dma_wait3A_740 = tpu.memref_squeeze %dma_wait3A_739 : memref<1x!tpu.dma_semaphore, #tpu.memory_space<semaphore_mem>> -> memref<!tpu.dma_semaphore, #tpu.memory_space<semaphore_mem>>
    %dma_wait3A_741 = arith.constant 0 : i32
    %dma_wait3A_742 = tpu.memref_slice %arg4[%add3A_714, %dma_wait3A_741] : memref<131072x128xf32, #tpu.memory_space<hbm>> -> memref<256x128xf32, #tpu.memory_space<hbm>>
    %dma_wait3A_743 = arith.constant 0 : i32
    %dma_wait3A_744 = arith.constant 0 : i32
    %dma_wait3A_745 = tpu.memref_slice %arg6[%dma_wait3A_731, %dma_wait3A_743, %dma_wait3A_744] : memref<3x256x128xf32, #tpu.memory_space<vmem>> -> memref<1x256x128xf32, #tpu.memory_space<vmem>>
    %dma_wait3A_746 = tpu.memref_squeeze %dma_wait3A_745 : memref<1x256x128xf32, #tpu.memory_space<vmem>> -> memref<256x128xf32, #tpu.memory_space<vmem>>
    tpu.wait_dma2 semaphore(%dma_wait3A_740 : memref<!tpu.dma_semaphore, #tpu.memory_space<semaphore_mem>>) src(%dma_wait3A_746 : memref<256x128xf32, #tpu.memory_space<vmem>>) dst(%dma_wait3A_742 : memref<256x128xf32, #tpu.memory_space<hbm>>)
    %dma_start3A_747 = arith.constant 2 : i32
    %dma_start3A_748 = arith.constant 2 : i32
    %dma_start3A_749 = arith.constant 0 : i32
    %dma_start3A_750 = arith.constant 0 : i32
    %dma_start3A_751 = tpu.memref_slice %arg6[%dma_start3A_747, %dma_start3A_749, %dma_start3A_750] : memref<3x256x128xf32, #tpu.memory_space<vmem>> -> memref<1x256x128xf32, #tpu.memory_space<vmem>>
    %dma_start3A_752 = tpu.memref_squeeze %dma_start3A_751 : memref<1x256x128xf32, #tpu.memory_space<vmem>> -> memref<256x128xf32, #tpu.memory_space<vmem>>
    %dma_start3A_753 = arith.constant 3584 : i32
    %dma_start3A_754 = tpu.memref_slice %arg5[%dma_start3A_753] : memref<4096xi32, #tpu.memory_space<vmem>> -> memref<256xi32, #tpu.memory_space<vmem>>
    %dma_start3A_755 = arith.constant 0 : i32
    %dma_start3A_756 = arith.constant 0 : i32
    %dma_start3A_757 = tpu.memref_slice %arg2[%dma_start3A_755, %dma_start3A_756] : memref<262144x128xf32, #tpu.memory_space<hbm>> -> memref<262144x128xf32, #tpu.memory_space<hbm>>
    %dma_start3A_758 = tpu.memref_slice %arg7[%dma_start3A_748] : memref<3x!tpu.dma_semaphore, #tpu.memory_space<semaphore_mem>> -> memref<1x!tpu.dma_semaphore, #tpu.memory_space<semaphore_mem>>
    %dma_start3A_759 = tpu.memref_squeeze %dma_start3A_758 : memref<1x!tpu.dma_semaphore, #tpu.memory_space<semaphore_mem>> -> memref<!tpu.dma_semaphore, #tpu.memory_space<semaphore_mem>>
    tpu.enqueue_indirect_dma source(%dma_start3A_757 : memref<262144x128xf32, #tpu.memory_space<hbm>>) target(%dma_start3A_752 : memref<256x128xf32, #tpu.memory_space<vmem>>) offsets(%dma_start3A_754 : memref<256xi32, #tpu.memory_space<vmem>>) semaphore(%dma_start3A_759 : memref<!tpu.dma_semaphore, #tpu.memory_space<semaphore_mem>>)
    %dma_wait3A_760 = arith.constant 0 : i32
    %dma_wait3A_761 = arith.constant 0 : i32
    %dma_wait3A_762 = arith.constant 0 : i32
    %dma_wait3A_763 = arith.constant 0 : i32
    %dma_wait3A_764 = tpu.memref_slice %arg6[%dma_wait3A_760, %dma_wait3A_762, %dma_wait3A_763] : memref<3x256x128xf32, #tpu.memory_space<vmem>> -> memref<1x256x128xf32, #tpu.memory_space<vmem>>
    %dma_wait3A_765 = tpu.memref_squeeze %dma_wait3A_764 : memref<1x256x128xf32, #tpu.memory_space<vmem>> -> memref<256x128xf32, #tpu.memory_space<vmem>>
    %dma_wait3A_766 = arith.constant 3072 : i32
    %dma_wait3A_767 = tpu.memref_slice %arg5[%dma_wait3A_766] : memref<4096xi32, #tpu.memory_space<vmem>> -> memref<256xi32, #tpu.memory_space<vmem>>
    %dma_wait3A_768 = arith.constant 0 : i32
    %dma_wait3A_769 = arith.constant 0 : i32
    %dma_wait3A_770 = tpu.memref_slice %arg2[%dma_wait3A_768, %dma_wait3A_769] : memref<262144x128xf32, #tpu.memory_space<hbm>> -> memref<262144x128xf32, #tpu.memory_space<hbm>>
    %dma_wait3A_771 = tpu.memref_slice %arg7[%dma_wait3A_761] : memref<3x!tpu.dma_semaphore, #tpu.memory_space<semaphore_mem>> -> memref<1x!tpu.dma_semaphore, #tpu.memory_space<semaphore_mem>>
    %dma_wait3A_772 = tpu.memref_squeeze %dma_wait3A_771 : memref<1x!tpu.dma_semaphore, #tpu.memory_space<semaphore_mem>> -> memref<!tpu.dma_semaphore, #tpu.memory_space<semaphore_mem>>
    tpu.wait_indirect_dma semaphore(%dma_wait3A_772 : memref<!tpu.dma_semaphore, #tpu.memory_space<semaphore_mem>>) src(%dma_wait3A_770 : memref<262144x128xf32, #tpu.memory_space<hbm>>) dst(%dma_wait3A_765 : memref<256x128xf32, #tpu.memory_space<vmem>>)
    %add3A_773 = arith.constant 3072 : i32
    %add3A_774 = arith.addi %mul3A_2, %add3A_773 : i32
    %dma_start3A_775 = arith.constant 0 : i32
    %dma_start3A_776 = arith.constant 0 : i32
    %dma_start3A_777 = arith.constant 0 : i32
    %dma_start3A_778 = arith.constant 0 : i32
    %dma_start3A_779 = tpu.memref_slice %arg6[%dma_start3A_775, %dma_start3A_777, %dma_start3A_778] : memref<3x256x128xf32, #tpu.memory_space<vmem>> -> memref<1x256x128xf32, #tpu.memory_space<vmem>>
    %dma_start3A_780 = tpu.memref_squeeze %dma_start3A_779 : memref<1x256x128xf32, #tpu.memory_space<vmem>> -> memref<256x128xf32, #tpu.memory_space<vmem>>
    %dma_start3A_781 = arith.constant 0 : i32
    %dma_start3A_782 = tpu.memref_slice %arg4[%add3A_774, %dma_start3A_781] : memref<131072x128xf32, #tpu.memory_space<hbm>> -> memref<256x128xf32, #tpu.memory_space<hbm>>
    %dma_start3A_783 = tpu.memref_slice %arg8[%dma_start3A_776] : memref<3x!tpu.dma_semaphore, #tpu.memory_space<semaphore_mem>> -> memref<1x!tpu.dma_semaphore, #tpu.memory_space<semaphore_mem>>
    %dma_start3A_784 = tpu.memref_squeeze %dma_start3A_783 : memref<1x!tpu.dma_semaphore, #tpu.memory_space<semaphore_mem>> -> memref<!tpu.dma_semaphore, #tpu.memory_space<semaphore_mem>>
    %dma_start3A_785 = arith.constant 0 : i32
    %dma_start3A_786 = tpu.memref_slice %arg4[%add3A_774, %dma_start3A_785] : memref<131072x128xf32, #tpu.memory_space<hbm>> -> memref<256x128xf32, #tpu.memory_space<hbm>>
    %dma_start3A_787 = arith.constant 0 : i32
    %dma_start3A_788 = arith.constant 0 : i32
    %dma_start3A_789 = tpu.memref_slice %arg6[%dma_start3A_775, %dma_start3A_787, %dma_start3A_788] : memref<3x256x128xf32, #tpu.memory_space<vmem>> -> memref<1x256x128xf32, #tpu.memory_space<vmem>>
    %dma_start3A_790 = tpu.memref_squeeze %dma_start3A_789 : memref<1x256x128xf32, #tpu.memory_space<vmem>> -> memref<256x128xf32, #tpu.memory_space<vmem>>
    tpu.enqueue_dma source(%dma_start3A_790 : memref<256x128xf32, #tpu.memory_space<vmem>>) target(%dma_start3A_786 : memref<256x128xf32, #tpu.memory_space<hbm>>) target_semaphore(%dma_start3A_784 : memref<!tpu.dma_semaphore, #tpu.memory_space<semaphore_mem>>)
    %dma_wait3A_791 = arith.constant 0 : i32
    %dma_wait3A_792 = arith.constant 0 : i32
    %dma_wait3A_793 = arith.constant 0 : i32
    %dma_wait3A_794 = arith.constant 0 : i32
    %dma_wait3A_795 = tpu.memref_slice %arg6[%dma_wait3A_791, %dma_wait3A_793, %dma_wait3A_794] : memref<3x256x128xf32, #tpu.memory_space<vmem>> -> memref<1x256x128xf32, #tpu.memory_space<vmem>>
    %dma_wait3A_796 = tpu.memref_squeeze %dma_wait3A_795 : memref<1x256x128xf32, #tpu.memory_space<vmem>> -> memref<256x128xf32, #tpu.memory_space<vmem>>
    %dma_wait3A_797 = arith.constant 0 : i32
    %dma_wait3A_798 = tpu.memref_slice %arg4[%add3A_774, %dma_wait3A_797] : memref<131072x128xf32, #tpu.memory_space<hbm>> -> memref<256x128xf32, #tpu.memory_space<hbm>>
    %dma_wait3A_799 = tpu.memref_slice %arg8[%dma_wait3A_792] : memref<3x!tpu.dma_semaphore, #tpu.memory_space<semaphore_mem>> -> memref<1x!tpu.dma_semaphore, #tpu.memory_space<semaphore_mem>>
    %dma_wait3A_800 = tpu.memref_squeeze %dma_wait3A_799 : memref<1x!tpu.dma_semaphore, #tpu.memory_space<semaphore_mem>> -> memref<!tpu.dma_semaphore, #tpu.memory_space<semaphore_mem>>
    %dma_wait3A_801 = arith.constant 0 : i32
    %dma_wait3A_802 = tpu.memref_slice %arg4[%add3A_774, %dma_wait3A_801] : memref<131072x128xf32, #tpu.memory_space<hbm>> -> memref<256x128xf32, #tpu.memory_space<hbm>>
    %dma_wait3A_803 = arith.constant 0 : i32
    %dma_wait3A_804 = arith.constant 0 : i32
    %dma_wait3A_805 = tpu.memref_slice %arg6[%dma_wait3A_791, %dma_wait3A_803, %dma_wait3A_804] : memref<3x256x128xf32, #tpu.memory_space<vmem>> -> memref<1x256x128xf32, #tpu.memory_space<vmem>>
    %dma_wait3A_806 = tpu.memref_squeeze %dma_wait3A_805 : memref<1x256x128xf32, #tpu.memory_space<vmem>> -> memref<256x128xf32, #tpu.memory_space<vmem>>
    tpu.wait_dma2 semaphore(%dma_wait3A_800 : memref<!tpu.dma_semaphore, #tpu.memory_space<semaphore_mem>>) src(%dma_wait3A_806 : memref<256x128xf32, #tpu.memory_space<vmem>>) dst(%dma_wait3A_802 : memref<256x128xf32, #tpu.memory_space<hbm>>)
    %dma_start3A_807 = arith.constant 0 : i32
    %dma_start3A_808 = arith.constant 0 : i32
    %dma_start3A_809 = arith.constant 0 : i32
    %dma_start3A_810 = arith.constant 0 : i32
    %dma_start3A_811 = tpu.memref_slice %arg6[%dma_start3A_807, %dma_start3A_809, %dma_start3A_810] : memref<3x256x128xf32, #tpu.memory_space<vmem>> -> memref<1x256x128xf32, #tpu.memory_space<vmem>>
    %dma_start3A_812 = tpu.memref_squeeze %dma_start3A_811 : memref<1x256x128xf32, #tpu.memory_space<vmem>> -> memref<256x128xf32, #tpu.memory_space<vmem>>
    %dma_start3A_813 = arith.constant 3840 : i32
    %dma_start3A_814 = tpu.memref_slice %arg5[%dma_start3A_813] : memref<4096xi32, #tpu.memory_space<vmem>> -> memref<256xi32, #tpu.memory_space<vmem>>
    %dma_start3A_815 = arith.constant 0 : i32
    %dma_start3A_816 = arith.constant 0 : i32
    %dma_start3A_817 = tpu.memref_slice %arg2[%dma_start3A_815, %dma_start3A_816] : memref<262144x128xf32, #tpu.memory_space<hbm>> -> memref<262144x128xf32, #tpu.memory_space<hbm>>
    %dma_start3A_818 = tpu.memref_slice %arg7[%dma_start3A_808] : memref<3x!tpu.dma_semaphore, #tpu.memory_space<semaphore_mem>> -> memref<1x!tpu.dma_semaphore, #tpu.memory_space<semaphore_mem>>
    %dma_start3A_819 = tpu.memref_squeeze %dma_start3A_818 : memref<1x!tpu.dma_semaphore, #tpu.memory_space<semaphore_mem>> -> memref<!tpu.dma_semaphore, #tpu.memory_space<semaphore_mem>>
    tpu.enqueue_indirect_dma source(%dma_start3A_817 : memref<262144x128xf32, #tpu.memory_space<hbm>>) target(%dma_start3A_812 : memref<256x128xf32, #tpu.memory_space<vmem>>) offsets(%dma_start3A_814 : memref<256xi32, #tpu.memory_space<vmem>>) semaphore(%dma_start3A_819 : memref<!tpu.dma_semaphore, #tpu.memory_space<semaphore_mem>>)
    %dma_wait3A_820 = arith.constant 1 : i32
    %dma_wait3A_821 = arith.constant 1 : i32
    %dma_wait3A_822 = arith.constant 0 : i32
    %dma_wait3A_823 = arith.constant 0 : i32
    %dma_wait3A_824 = tpu.memref_slice %arg6[%dma_wait3A_820, %dma_wait3A_822, %dma_wait3A_823] : memref<3x256x128xf32, #tpu.memory_space<vmem>> -> memref<1x256x128xf32, #tpu.memory_space<vmem>>
    %dma_wait3A_825 = tpu.memref_squeeze %dma_wait3A_824 : memref<1x256x128xf32, #tpu.memory_space<vmem>> -> memref<256x128xf32, #tpu.memory_space<vmem>>
    %dma_wait3A_826 = arith.constant 3328 : i32
    %dma_wait3A_827 = tpu.memref_slice %arg5[%dma_wait3A_826] : memref<4096xi32, #tpu.memory_space<vmem>> -> memref<256xi32, #tpu.memory_space<vmem>>
    %dma_wait3A_828 = arith.constant 0 : i32
    %dma_wait3A_829 = arith.constant 0 : i32
    %dma_wait3A_830 = tpu.memref_slice %arg2[%dma_wait3A_828, %dma_wait3A_829] : memref<262144x128xf32, #tpu.memory_space<hbm>> -> memref<262144x128xf32, #tpu.memory_space<hbm>>
    %dma_wait3A_831 = tpu.memref_slice %arg7[%dma_wait3A_821] : memref<3x!tpu.dma_semaphore, #tpu.memory_space<semaphore_mem>> -> memref<1x!tpu.dma_semaphore, #tpu.memory_space<semaphore_mem>>
    %dma_wait3A_832 = tpu.memref_squeeze %dma_wait3A_831 : memref<1x!tpu.dma_semaphore, #tpu.memory_space<semaphore_mem>> -> memref<!tpu.dma_semaphore, #tpu.memory_space<semaphore_mem>>
    tpu.wait_indirect_dma semaphore(%dma_wait3A_832 : memref<!tpu.dma_semaphore, #tpu.memory_space<semaphore_mem>>) src(%dma_wait3A_830 : memref<262144x128xf32, #tpu.memory_space<hbm>>) dst(%dma_wait3A_825 : memref<256x128xf32, #tpu.memory_space<vmem>>)
    %add3A_833 = arith.constant 3328 : i32
    %add3A_834 = arith.addi %mul3A_2, %add3A_833 : i32
    %dma_start3A_835 = arith.constant 1 : i32
    %dma_start3A_836 = arith.constant 1 : i32
    %dma_start3A_837 = arith.constant 0 : i32
    %dma_start3A_838 = arith.constant 0 : i32
    %dma_start3A_839 = tpu.memref_slice %arg6[%dma_start3A_835, %dma_start3A_837, %dma_start3A_838] : memref<3x256x128xf32, #tpu.memory_space<vmem>> -> memref<1x256x128xf32, #tpu.memory_space<vmem>>
    %dma_start3A_840 = tpu.memref_squeeze %dma_start3A_839 : memref<1x256x128xf32, #tpu.memory_space<vmem>> -> memref<256x128xf32, #tpu.memory_space<vmem>>
    %dma_start3A_841 = arith.constant 0 : i32
    %dma_start3A_842 = tpu.memref_slice %arg4[%add3A_834, %dma_start3A_841] : memref<131072x128xf32, #tpu.memory_space<hbm>> -> memref<256x128xf32, #tpu.memory_space<hbm>>
    %dma_start3A_843 = tpu.memref_slice %arg8[%dma_start3A_836] : memref<3x!tpu.dma_semaphore, #tpu.memory_space<semaphore_mem>> -> memref<1x!tpu.dma_semaphore, #tpu.memory_space<semaphore_mem>>
    %dma_start3A_844 = tpu.memref_squeeze %dma_start3A_843 : memref<1x!tpu.dma_semaphore, #tpu.memory_space<semaphore_mem>> -> memref<!tpu.dma_semaphore, #tpu.memory_space<semaphore_mem>>
    %dma_start3A_845 = arith.constant 0 : i32
    %dma_start3A_846 = tpu.memref_slice %arg4[%add3A_834, %dma_start3A_845] : memref<131072x128xf32, #tpu.memory_space<hbm>> -> memref<256x128xf32, #tpu.memory_space<hbm>>
    %dma_start3A_847 = arith.constant 0 : i32
    %dma_start3A_848 = arith.constant 0 : i32
    %dma_start3A_849 = tpu.memref_slice %arg6[%dma_start3A_835, %dma_start3A_847, %dma_start3A_848] : memref<3x256x128xf32, #tpu.memory_space<vmem>> -> memref<1x256x128xf32, #tpu.memory_space<vmem>>
    %dma_start3A_850 = tpu.memref_squeeze %dma_start3A_849 : memref<1x256x128xf32, #tpu.memory_space<vmem>> -> memref<256x128xf32, #tpu.memory_space<vmem>>
    tpu.enqueue_dma source(%dma_start3A_850 : memref<256x128xf32, #tpu.memory_space<vmem>>) target(%dma_start3A_846 : memref<256x128xf32, #tpu.memory_space<hbm>>) target_semaphore(%dma_start3A_844 : memref<!tpu.dma_semaphore, #tpu.memory_space<semaphore_mem>>)
    %dma_wait3A_851 = arith.constant 2 : i32
    %dma_wait3A_852 = arith.constant 2 : i32
    %dma_wait3A_853 = arith.constant 0 : i32
    %dma_wait3A_854 = arith.constant 0 : i32
    %dma_wait3A_855 = tpu.memref_slice %arg6[%dma_wait3A_851, %dma_wait3A_853, %dma_wait3A_854] : memref<3x256x128xf32, #tpu.memory_space<vmem>> -> memref<1x256x128xf32, #tpu.memory_space<vmem>>
    %dma_wait3A_856 = tpu.memref_squeeze %dma_wait3A_855 : memref<1x256x128xf32, #tpu.memory_space<vmem>> -> memref<256x128xf32, #tpu.memory_space<vmem>>
    %dma_wait3A_857 = arith.constant 3584 : i32
    %dma_wait3A_858 = tpu.memref_slice %arg5[%dma_wait3A_857] : memref<4096xi32, #tpu.memory_space<vmem>> -> memref<256xi32, #tpu.memory_space<vmem>>
    %dma_wait3A_859 = arith.constant 0 : i32
    %dma_wait3A_860 = arith.constant 0 : i32
    %dma_wait3A_861 = tpu.memref_slice %arg2[%dma_wait3A_859, %dma_wait3A_860] : memref<262144x128xf32, #tpu.memory_space<hbm>> -> memref<262144x128xf32, #tpu.memory_space<hbm>>
    %dma_wait3A_862 = tpu.memref_slice %arg7[%dma_wait3A_852] : memref<3x!tpu.dma_semaphore, #tpu.memory_space<semaphore_mem>> -> memref<1x!tpu.dma_semaphore, #tpu.memory_space<semaphore_mem>>
    %dma_wait3A_863 = tpu.memref_squeeze %dma_wait3A_862 : memref<1x!tpu.dma_semaphore, #tpu.memory_space<semaphore_mem>> -> memref<!tpu.dma_semaphore, #tpu.memory_space<semaphore_mem>>
    tpu.wait_indirect_dma semaphore(%dma_wait3A_863 : memref<!tpu.dma_semaphore, #tpu.memory_space<semaphore_mem>>) src(%dma_wait3A_861 : memref<262144x128xf32, #tpu.memory_space<hbm>>) dst(%dma_wait3A_856 : memref<256x128xf32, #tpu.memory_space<vmem>>)
    %add3A_864 = arith.constant 3584 : i32
    %add3A_865 = arith.addi %mul3A_2, %add3A_864 : i32
    %dma_start3A_866 = arith.constant 2 : i32
    %dma_start3A_867 = arith.constant 2 : i32
    %dma_start3A_868 = arith.constant 0 : i32
    %dma_start3A_869 = arith.constant 0 : i32
    %dma_start3A_870 = tpu.memref_slice %arg6[%dma_start3A_866, %dma_start3A_868, %dma_start3A_869] : memref<3x256x128xf32, #tpu.memory_space<vmem>> -> memref<1x256x128xf32, #tpu.memory_space<vmem>>
    %dma_start3A_871 = tpu.memref_squeeze %dma_start3A_870 : memref<1x256x128xf32, #tpu.memory_space<vmem>> -> memref<256x128xf32, #tpu.memory_space<vmem>>
    %dma_start3A_872 = arith.constant 0 : i32
    %dma_start3A_873 = tpu.memref_slice %arg4[%add3A_865, %dma_start3A_872] : memref<131072x128xf32, #tpu.memory_space<hbm>> -> memref<256x128xf32, #tpu.memory_space<hbm>>
    %dma_start3A_874 = tpu.memref_slice %arg8[%dma_start3A_867] : memref<3x!tpu.dma_semaphore, #tpu.memory_space<semaphore_mem>> -> memref<1x!tpu.dma_semaphore, #tpu.memory_space<semaphore_mem>>
    %dma_start3A_875 = tpu.memref_squeeze %dma_start3A_874 : memref<1x!tpu.dma_semaphore, #tpu.memory_space<semaphore_mem>> -> memref<!tpu.dma_semaphore, #tpu.memory_space<semaphore_mem>>
    %dma_start3A_876 = arith.constant 0 : i32
    %dma_start3A_877 = tpu.memref_slice %arg4[%add3A_865, %dma_start3A_876] : memref<131072x128xf32, #tpu.memory_space<hbm>> -> memref<256x128xf32, #tpu.memory_space<hbm>>
    %dma_start3A_878 = arith.constant 0 : i32
    %dma_start3A_879 = arith.constant 0 : i32
    %dma_start3A_880 = tpu.memref_slice %arg6[%dma_start3A_866, %dma_start3A_878, %dma_start3A_879] : memref<3x256x128xf32, #tpu.memory_space<vmem>> -> memref<1x256x128xf32, #tpu.memory_space<vmem>>
    %dma_start3A_881 = tpu.memref_squeeze %dma_start3A_880 : memref<1x256x128xf32, #tpu.memory_space<vmem>> -> memref<256x128xf32, #tpu.memory_space<vmem>>
    tpu.enqueue_dma source(%dma_start3A_881 : memref<256x128xf32, #tpu.memory_space<vmem>>) target(%dma_start3A_877 : memref<256x128xf32, #tpu.memory_space<hbm>>) target_semaphore(%dma_start3A_875 : memref<!tpu.dma_semaphore, #tpu.memory_space<semaphore_mem>>)
    %dma_wait3A_882 = arith.constant 0 : i32
    %dma_wait3A_883 = arith.constant 0 : i32
    %dma_wait3A_884 = arith.constant 0 : i32
    %dma_wait3A_885 = arith.constant 0 : i32
    %dma_wait3A_886 = tpu.memref_slice %arg6[%dma_wait3A_882, %dma_wait3A_884, %dma_wait3A_885] : memref<3x256x128xf32, #tpu.memory_space<vmem>> -> memref<1x256x128xf32, #tpu.memory_space<vmem>>
    %dma_wait3A_887 = tpu.memref_squeeze %dma_wait3A_886 : memref<1x256x128xf32, #tpu.memory_space<vmem>> -> memref<256x128xf32, #tpu.memory_space<vmem>>
    %dma_wait3A_888 = arith.constant 3840 : i32
    %dma_wait3A_889 = tpu.memref_slice %arg5[%dma_wait3A_888] : memref<4096xi32, #tpu.memory_space<vmem>> -> memref<256xi32, #tpu.memory_space<vmem>>
    %dma_wait3A_890 = arith.constant 0 : i32
    %dma_wait3A_891 = arith.constant 0 : i32
    %dma_wait3A_892 = tpu.memref_slice %arg2[%dma_wait3A_890, %dma_wait3A_891] : memref<262144x128xf32, #tpu.memory_space<hbm>> -> memref<262144x128xf32, #tpu.memory_space<hbm>>
    %dma_wait3A_893 = tpu.memref_slice %arg7[%dma_wait3A_883] : memref<3x!tpu.dma_semaphore, #tpu.memory_space<semaphore_mem>> -> memref<1x!tpu.dma_semaphore, #tpu.memory_space<semaphore_mem>>
    %dma_wait3A_894 = tpu.memref_squeeze %dma_wait3A_893 : memref<1x!tpu.dma_semaphore, #tpu.memory_space<semaphore_mem>> -> memref<!tpu.dma_semaphore, #tpu.memory_space<semaphore_mem>>
    tpu.wait_indirect_dma semaphore(%dma_wait3A_894 : memref<!tpu.dma_semaphore, #tpu.memory_space<semaphore_mem>>) src(%dma_wait3A_892 : memref<262144x128xf32, #tpu.memory_space<hbm>>) dst(%dma_wait3A_887 : memref<256x128xf32, #tpu.memory_space<vmem>>)
    %add3A_895 = arith.constant 3840 : i32
    %add3A_896 = arith.addi %mul3A_2, %add3A_895 : i32
    %dma_start3A_897 = arith.constant 0 : i32
    %dma_start3A_898 = arith.constant 0 : i32
    %dma_start3A_899 = arith.constant 0 : i32
    %dma_start3A_900 = arith.constant 0 : i32
    %dma_start3A_901 = tpu.memref_slice %arg6[%dma_start3A_897, %dma_start3A_899, %dma_start3A_900] : memref<3x256x128xf32, #tpu.memory_space<vmem>> -> memref<1x256x128xf32, #tpu.memory_space<vmem>>
    %dma_start3A_902 = tpu.memref_squeeze %dma_start3A_901 : memref<1x256x128xf32, #tpu.memory_space<vmem>> -> memref<256x128xf32, #tpu.memory_space<vmem>>
    %dma_start3A_903 = arith.constant 0 : i32
    %dma_start3A_904 = tpu.memref_slice %arg4[%add3A_896, %dma_start3A_903] : memref<131072x128xf32, #tpu.memory_space<hbm>> -> memref<256x128xf32, #tpu.memory_space<hbm>>
    %dma_start3A_905 = tpu.memref_slice %arg8[%dma_start3A_898] : memref<3x!tpu.dma_semaphore, #tpu.memory_space<semaphore_mem>> -> memref<1x!tpu.dma_semaphore, #tpu.memory_space<semaphore_mem>>
    %dma_start3A_906 = tpu.memref_squeeze %dma_start3A_905 : memref<1x!tpu.dma_semaphore, #tpu.memory_space<semaphore_mem>> -> memref<!tpu.dma_semaphore, #tpu.memory_space<semaphore_mem>>
    %dma_start3A_907 = arith.constant 0 : i32
    %dma_start3A_908 = tpu.memref_slice %arg4[%add3A_896, %dma_start3A_907] : memref<131072x128xf32, #tpu.memory_space<hbm>> -> memref<256x128xf32, #tpu.memory_space<hbm>>
    %dma_start3A_909 = arith.constant 0 : i32
    %dma_start3A_910 = arith.constant 0 : i32
    %dma_start3A_911 = tpu.memref_slice %arg6[%dma_start3A_897, %dma_start3A_909, %dma_start3A_910] : memref<3x256x128xf32, #tpu.memory_space<vmem>> -> memref<1x256x128xf32, #tpu.memory_space<vmem>>
    %dma_start3A_912 = tpu.memref_squeeze %dma_start3A_911 : memref<1x256x128xf32, #tpu.memory_space<vmem>> -> memref<256x128xf32, #tpu.memory_space<vmem>>
    tpu.enqueue_dma source(%dma_start3A_912 : memref<256x128xf32, #tpu.memory_space<vmem>>) target(%dma_start3A_908 : memref<256x128xf32, #tpu.memory_space<hbm>>) target_semaphore(%dma_start3A_906 : memref<!tpu.dma_semaphore, #tpu.memory_space<semaphore_mem>>)
    %dma_wait3A_913 = arith.constant 1 : i32
    %dma_wait3A_914 = arith.constant 1 : i32
    %dma_wait3A_915 = arith.constant 0 : i32
    %dma_wait3A_916 = arith.constant 0 : i32
    %dma_wait3A_917 = tpu.memref_slice %arg6[%dma_wait3A_913, %dma_wait3A_915, %dma_wait3A_916] : memref<3x256x128xf32, #tpu.memory_space<vmem>> -> memref<1x256x128xf32, #tpu.memory_space<vmem>>
    %dma_wait3A_918 = tpu.memref_squeeze %dma_wait3A_917 : memref<1x256x128xf32, #tpu.memory_space<vmem>> -> memref<256x128xf32, #tpu.memory_space<vmem>>
    %dma_wait3A_919 = arith.constant 0 : i32
    %dma_wait3A_920 = tpu.memref_slice %arg4[%add3A_834, %dma_wait3A_919] : memref<131072x128xf32, #tpu.memory_space<hbm>> -> memref<256x128xf32, #tpu.memory_space<hbm>>
    %dma_wait3A_921 = tpu.memref_slice %arg8[%dma_wait3A_914] : memref<3x!tpu.dma_semaphore, #tpu.memory_space<semaphore_mem>> -> memref<1x!tpu.dma_semaphore, #tpu.memory_space<semaphore_mem>>
    %dma_wait3A_922 = tpu.memref_squeeze %dma_wait3A_921 : memref<1x!tpu.dma_semaphore, #tpu.memory_space<semaphore_mem>> -> memref<!tpu.dma_semaphore, #tpu.memory_space<semaphore_mem>>
    %dma_wait3A_923 = arith.constant 0 : i32
    %dma_wait3A_924 = tpu.memref_slice %arg4[%add3A_834, %dma_wait3A_923] : memref<131072x128xf32, #tpu.memory_space<hbm>> -> memref<256x128xf32, #tpu.memory_space<hbm>>
    %dma_wait3A_925 = arith.constant 0 : i32
    %dma_wait3A_926 = arith.constant 0 : i32
    %dma_wait3A_927 = tpu.memref_slice %arg6[%dma_wait3A_913, %dma_wait3A_925, %dma_wait3A_926] : memref<3x256x128xf32, #tpu.memory_space<vmem>> -> memref<1x256x128xf32, #tpu.memory_space<vmem>>
    %dma_wait3A_928 = tpu.memref_squeeze %dma_wait3A_927 : memref<1x256x128xf32, #tpu.memory_space<vmem>> -> memref<256x128xf32, #tpu.memory_space<vmem>>
    tpu.wait_dma2 semaphore(%dma_wait3A_922 : memref<!tpu.dma_semaphore, #tpu.memory_space<semaphore_mem>>) src(%dma_wait3A_928 : memref<256x128xf32, #tpu.memory_space<vmem>>) dst(%dma_wait3A_924 : memref<256x128xf32, #tpu.memory_space<hbm>>)
    %dma_wait3A_929 = arith.constant 2 : i32
    %dma_wait3A_930 = arith.constant 2 : i32
    %dma_wait3A_931 = arith.constant 0 : i32
    %dma_wait3A_932 = arith.constant 0 : i32
    %dma_wait3A_933 = tpu.memref_slice %arg6[%dma_wait3A_929, %dma_wait3A_931, %dma_wait3A_932] : memref<3x256x128xf32, #tpu.memory_space<vmem>> -> memref<1x256x128xf32, #tpu.memory_space<vmem>>
    %dma_wait3A_934 = tpu.memref_squeeze %dma_wait3A_933 : memref<1x256x128xf32, #tpu.memory_space<vmem>> -> memref<256x128xf32, #tpu.memory_space<vmem>>
    %dma_wait3A_935 = arith.constant 0 : i32
    %dma_wait3A_936 = tpu.memref_slice %arg4[%add3A_865, %dma_wait3A_935] : memref<131072x128xf32, #tpu.memory_space<hbm>> -> memref<256x128xf32, #tpu.memory_space<hbm>>
    %dma_wait3A_937 = tpu.memref_slice %arg8[%dma_wait3A_930] : memref<3x!tpu.dma_semaphore, #tpu.memory_space<semaphore_mem>> -> memref<1x!tpu.dma_semaphore, #tpu.memory_space<semaphore_mem>>
    %dma_wait3A_938 = tpu.memref_squeeze %dma_wait3A_937 : memref<1x!tpu.dma_semaphore, #tpu.memory_space<semaphore_mem>> -> memref<!tpu.dma_semaphore, #tpu.memory_space<semaphore_mem>>
    %dma_wait3A_939 = arith.constant 0 : i32
    %dma_wait3A_940 = tpu.memref_slice %arg4[%add3A_865, %dma_wait3A_939] : memref<131072x128xf32, #tpu.memory_space<hbm>> -> memref<256x128xf32, #tpu.memory_space<hbm>>
    %dma_wait3A_941 = arith.constant 0 : i32
    %dma_wait3A_942 = arith.constant 0 : i32
    %dma_wait3A_943 = tpu.memref_slice %arg6[%dma_wait3A_929, %dma_wait3A_941, %dma_wait3A_942] : memref<3x256x128xf32, #tpu.memory_space<vmem>> -> memref<1x256x128xf32, #tpu.memory_space<vmem>>
    %dma_wait3A_944 = tpu.memref_squeeze %dma_wait3A_943 : memref<1x256x128xf32, #tpu.memory_space<vmem>> -> memref<256x128xf32, #tpu.memory_space<vmem>>
    tpu.wait_dma2 semaphore(%dma_wait3A_938 : memref<!tpu.dma_semaphore, #tpu.memory_space<semaphore_mem>>) src(%dma_wait3A_944 : memref<256x128xf32, #tpu.memory_space<vmem>>) dst(%dma_wait3A_940 : memref<256x128xf32, #tpu.memory_space<hbm>>)
    %dma_wait3A_945 = arith.constant 0 : i32
    %dma_wait3A_946 = arith.constant 0 : i32
    %dma_wait3A_947 = arith.constant 0 : i32
    %dma_wait3A_948 = arith.constant 0 : i32
    %dma_wait3A_949 = tpu.memref_slice %arg6[%dma_wait3A_945, %dma_wait3A_947, %dma_wait3A_948] : memref<3x256x128xf32, #tpu.memory_space<vmem>> -> memref<1x256x128xf32, #tpu.memory_space<vmem>>
    %dma_wait3A_950 = tpu.memref_squeeze %dma_wait3A_949 : memref<1x256x128xf32, #tpu.memory_space<vmem>> -> memref<256x128xf32, #tpu.memory_space<vmem>>
    %dma_wait3A_951 = arith.constant 0 : i32
    %dma_wait3A_952 = tpu.memref_slice %arg4[%add3A_896, %dma_wait3A_951] : memref<131072x128xf32, #tpu.memory_space<hbm>> -> memref<256x128xf32, #tpu.memory_space<hbm>>
    %dma_wait3A_953 = tpu.memref_slice %arg8[%dma_wait3A_946] : memref<3x!tpu.dma_semaphore, #tpu.memory_space<semaphore_mem>> -> memref<1x!tpu.dma_semaphore, #tpu.memory_space<semaphore_mem>>
    %dma_wait3A_954 = tpu.memref_squeeze %dma_wait3A_953 : memref<1x!tpu.dma_semaphore, #tpu.memory_space<semaphore_mem>> -> memref<!tpu.dma_semaphore, #tpu.memory_space<semaphore_mem>>
    %dma_wait3A_955 = arith.constant 0 : i32
    %dma_wait3A_956 = tpu.memref_slice %arg4[%add3A_896, %dma_wait3A_955] : memref<131072x128xf32, #tpu.memory_space<hbm>> -> memref<256x128xf32, #tpu.memory_space<hbm>>
    %dma_wait3A_957 = arith.constant 0 : i32
    %dma_wait3A_958 = arith.constant 0 : i32
    %dma_wait3A_959 = tpu.memref_slice %arg6[%dma_wait3A_945, %dma_wait3A_957, %dma_wait3A_958] : memref<3x256x128xf32, #tpu.memory_space<vmem>> -> memref<1x256x128xf32, #tpu.memory_space<vmem>>
    %dma_wait3A_960 = tpu.memref_squeeze %dma_wait3A_959 : memref<1x256x128xf32, #tpu.memory_space<vmem>> -> memref<256x128xf32, #tpu.memory_space<vmem>>
    tpu.wait_dma2 semaphore(%dma_wait3A_954 : memref<!tpu.dma_semaphore, #tpu.memory_space<semaphore_mem>>) src(%dma_wait3A_960 : memref<256x128xf32, #tpu.memory_space<vmem>>) dst(%dma_wait3A_956 : memref<256x128xf32, #tpu.memory_space<hbm>>)
    return
  }
}

</mosaic_0001>

<sc_bundles>
// kernel: _sc_gather.3.cloned.1.call-start
scs
__scs_entry_jumppad:
0x0: {  	(pc) =	sbr.rel $0x88, $3  }
0x1: {  	(tag) =	ssettag $0x0;
	lr =	simm.s32 $0x1  }
0x2: {  	[smem:$0x3F9F] =	sst lr;
	_ =	strace $0xD0000000  }
0x3: {  	_ = 	snop  }
0x4: {  	_ = 	snop  }
0x5: {  	_ = 	snop  }
0x6: {  	_ = 	snop  }
0x7: {  	_ = 	snop  }
__scs_overlays_trampoline_lowered:
0x8: {  	[smem:$0x3FAE] =	sst s0  }
0x9: {  	[smem:$0x3FAF] =	sst s1  }
0xa: {  	[smem:$0x3FB0] =	sst s2  }
0xb: {  	[smem:$0x3FB1] =	sst s3  }
0xc: {  	[smem:$0x3FB2] =	sst s4  }
0xd: {  	[smem:$0x3FB3] =	sst s5  }
0xe: {  	[smem:$0x3FB4] =	sst s6  }
0xf: {  	[smem:$0x3FB5] =	sst s7  }
0x10: {  	[smem:$0x3FB6] =	sst s8  }
0x11: {  	[smem:$0x3FB7] =	sst s9;
	s0 =	simm.s32 @!p0 $0x0  }
0x12: {  	s1 =	sld [smem:$0x3F9D];
	s0 =	simm.s32 @p0 $0x1  }
0x13: {  	[smem:$0x3FB8] =	sst s0;
	s0 =	simm.s32 @!p1 $0x0  }
0x14: {  	s2 =	sld [smem:$0x3F9C];
	s0 =	simm.s32 @p1 $0x1  }
0x15: {  	[smem:$0x3FB9] =	sst s0;
	s0 =	simm.s32 @!p2 $0x0  }
0x16: {  	s3 =	sld [smem:$0x3FDB];
	s0 =	simm.s32 @p2 $0x1  }
0x17: {  	s4 =	simm.s32 $0x1BF5;
	[smem:$0x3FBB] =	sst s0  }
0x18: {  	s0 =	sld [smem:$0x3F9E];
	_ =	swait.ge [sflag:s4], $0x0  }
0x19: {  	s7 =	sld [smem:$0x3F9F]  }
0x1a: {  	s8 =	sadd.s32 $0xFFFFE003, lr  }
0x1b: {  	s9 =	sadd.s32 $0xFFFFFEF7, lr;
	s5 =	simm.s32 $0xFFFFFFFF;
	p2 =	slt.u32 s8, $0xFFFFF086  }
0x1c: {  	p1 =	slt.u32 s9, $0xF7A;
	s5 =	simm.s32 @!p2 $0x0  }
0x1d: {  	s5 =	simm.s32 @p1 $0x1;
	p0 =	seq.s32 s7, s2  }
0x1e: {  	s7 =	smul.u32 @!p0 $0xF7A, s2;
	p2 =	seq.s32 @!p0 s5, $0x0  }
0x1f: {  	s9 =	smul.u32 $0xF7A, s1;
	s8 =	simm.s32 @!p0 $0x1BF5;
	p2 =	por !p2, p0  }
0x20: {  	[sflag:s8] =	ssyncset.s32 @!p0 $0xFFFFF086;
	s6 =	sadd.s32 @!p0 s3, s7;
	s7 =	simm.s32 @!p0 $0x108  }
0x21: {  	s3 =	sadd.s32 s3, s9;
	s6 =	sadd.s32 @!p0 $0x88, s6;
	s7 =	simm.s32 @p2 $0x1082  }
0x22: {  	[simem:s7], [sflag:s8] =	dma.local @!p0 [hbm:s6], $0xF7A  }
0x23: {  	s9 =	sor.u32 $0xD0000000, s2;
	s6 =	simm.s32 $0x108;
	_ =	swait.ge @!p0 [sflag:s8], $0x0  }
0x24: {  	s3 =	sadd.s32 $0x88, s3;
	s6 =	simm.s32 @!p1 $0x1082;
	[sflag:s4] =	ssyncset.s32 $0xFFFFF086  }
0x25: {  	[simem:s6], [sflag:s4] =	dma.local [hbm:s3], $0xF7A  }
0x26: {  	[smem:$0x3F9F] =	sst s1;
	(tag) =	ssettag s2;
	_ =	strace s9  }
0x27: {  	s1 =	sld [smem:$0x3FAF]  }
0x28: {  	s2 =	sld [smem:$0x3FB0]  }
0x29: {  	s4 =	sld [smem:$0x3FB2]  }
0x2a: {  	p0 =	seq.s32 s5, $0x0;
	s5 =	sld [smem:$0x3FB3]  }
0x2b: {  	s6 =	sld [smem:$0x3FB4]  }
0x2c: {  	s7 =	sld [smem:$0x3FB5]  }
0x2d: {  	s3 =	simm.s32 $0x108;
	s8 =	sld [smem:$0x3FB6]  }
0x2e: {  	s3 =	simm.s32 @!p0 $0x1082;
	s9 =	sld [smem:$0x3FB7]  }
0x2f: {  	lr =	sadd.s32 s0, s3;
	s0 =	sld [smem:$0x3FAE]  }
0x30: {  	s3 =	sld [smem:$0x3FB1]  }
0x31: {  	[smem:$0x3FBA] =	sst s10  }
0x32: {  	s10 =	sld [smem:$0x3FB8];
	_ =	sdelay $0x3  }
0x33: {  	p0 =	seq.s32 s10, $0x1;
	s10 =	sld [smem:$0x3FBA];
	_ =	sdelay $0x3  }
0x34: {  	[smem:$0x3FBA] =	sst s10  }
0x35: {  	s10 =	sld [smem:$0x3FB9];
	_ =	sdelay $0x3  }
0x36: {  	p1 =	seq.s32 s10, $0x1;
	s10 =	sld [smem:$0x3FBA];
	_ =	sdelay $0x3  }
0x37: {  	[smem:$0x3FBA] =	sst s10  }
0x38: {  	s10 =	sld [smem:$0x3FBB]  }
0x39: {  	_ = 	snop;
	(pc) =	sbr.ind lr, $3  }
0x3a: {  	_ = 	snop  }
0x3b: {  	_ = 	snop  }
0x3c: {  	p2 =	seq.s32 s10, $0x1;
	s10 =	sld [smem:$0x3FBA]  }
0x3d: {  	_ =	shalt  }
0x3e: {  	_ =	shalt  }
0x3f: {  	_ =	shalt  }
0x40: {  	_ =	shalt  }
0x41: {  	_ =	shalt  }
0x42: {  	_ =	shalt  }
0x43: {  	_ =	shalt  }
0x44: {  	_ =	shalt  }
0x45: {  	_ =	shalt  }
0x46: {  	_ =	shalt  }
0x47: {  	_ =	shalt  }
0x48: {  	_ =	shalt  }
0x49: {  	_ =	shalt  }
0x4a: {  	_ =	shalt  }
0x4b: {  	_ =	shalt  }
0x4c: {  	_ =	shalt  }
0x4d: {  	_ =	shalt  }
0x4e: {  	_ =	shalt  }
0x4f: {  	_ =	shalt  }
0x50: {  	_ =	shalt  }
0x51: {  	_ =	shalt  }
0x52: {  	_ =	shalt  }
0x53: {  	_ =	shalt  }
0x54: {  	_ =	shalt  }
0x55: {  	_ =	shalt  }
0x56: {  	_ =	shalt  }
0x57: {  	_ =	shalt  }
0x58: {  	_ =	shalt  }
0x59: {  	_ =	shalt  }
0x5a: {  	_ =	shalt  }
0x5b: {  	_ =	shalt  }
0x5c: {  	_ =	shalt  }
0x5d: {  	_ =	shalt  }
0x5e: {  	_ =	shalt  }
0x5f: {  	_ =	shalt  }
0x60: {  	_ =	shalt  }
0x61: {  	_ =	shalt  }
0x62: {  	_ =	shalt  }
0x63: {  	_ =	shalt  }
0x64: {  	_ =	shalt  }
0x65: {  	_ =	shalt  }
0x66: {  	_ =	shalt  }
0x67: {  	_ =	shalt  }
0x68: {  	_ =	shalt  }
0x69: {  	_ =	shalt  }
0x6a: {  	_ =	shalt  }
0x6b: {  	_ =	shalt  }
0x6c: {  	_ =	shalt  }
0x6d: {  	_ =	shalt  }
0x6e: {  	_ =	shalt  }
0x6f: {  	_ =	shalt  }
0x70: {  	_ =	shalt  }
0x71: {  	_ =	shalt  }
0x72: {  	_ =	shalt  }
0x73: {  	_ =	shalt  }
0x74: {  	_ =	shalt  }
0x75: {  	_ =	shalt  }
0x76: {  	_ =	shalt  }
0x77: {  	_ =	shalt  }
0x78: {  	_ =	shalt  }
0x79: {  	_ =	shalt  }
0x7a: {  	_ =	shalt  }
0x7b: {  	_ =	shalt  }
0x7c: {  	_ =	shalt  }
0x7d: {  	_ =	shalt  }
0x7e: {  	_ =	shalt  }
0x7f: {  	_ =	shalt  }
0x80: {  	_ =	shalt  }
0x81: {  	_ =	shalt  }
0x82: {  	_ =	shalt  }
0x83: {  	_ =	shalt  }
0x84: {  	_ =	shalt  }
0x85: {  	_ =	shalt  }
0x86: {  	_ =	shalt  }
0x87: {  	_ =	shalt  }
.Lfunc_end0:
.L_simem_size_0:
called_computation_lowered:
.L_overlay_start_0:
0x88: {  	s2 =	sld [smem:$0x3FD9]  }
0x89: {  	s3 =	sld [smem:$0x3FFE];
	_ =	sdelay $0x1  }
0x8a: {  	s1 =	srdreg.scid  }
0x8b: {  	s0 =	sand.u32 $0x1, s1  }
0x8c: {  	s18 =	sshll.u32 s0, $0xA;
	s2 =	sadd.s32 s3, s2  }
0x8d: {  	s2 =	sadd.s32 s2, s18  }
0x8e: {  	[smem:$0x3FC6] =	sst s2  }
0x8f: {  	_ = 	snop  }
0x90: {  	s2 =	sld [smem:$0x3FC9]  }
0x91: {  	s19 =	sld [smem:$0x3FC8]  }
0x92: {  	s4 =	sld [smem:$0x3FD0];
	(tm) =	ssettm $0x1  }
0x93: {  	s5 =	sld [smem:$0x3FFB];
	_ =	sdelay $0x3  }
0x94: {  	_ =	strace s5  }
0x95: {  	s5 =	sld [smem:$0x3FFC];
	_ =	sdelay $0x3  }
0x96: {  	_ =	strace s5  }
0x97: {  	s5 =	sld [smem:$0x3FFD];
	_ =	sdelay $0x3  }
0x98: {  	_ =	strace s5  }
0x99: {  	_ =	strace $0x8FFFFFFF  }
0x9a: {  	s20 =	sld [smem:$0x3FDB];
	_ =	sdelay $0x1  }
0x9b: {  	s6 =	simm.s32 $_scs_section_size  }
0x9c: {  	s7 =	simm.s32 $_size__tile_overlayer_lowered;
	s8 =	simm.s32 $_tile_overlayer_lowered  }
0x9d: {  	s23 =	simm.s32 $0x1BFF;
	s22 =	sshll.u32 s8, $0x1;
	s5 =	sadd.s32 s6, s20  }
0x9e: {  	s9 =	simm.s32 $0x0;
	s21 =	sshll.u32 s7, $0x1;
	s7 =	sadd.s32 s22, s5  }
0x9f: {  	[timem:s9], [sflag:s23] =	dma.local [hbm:s7], s21  }
0xa0: {  	_ =	swait.ge [sflag:s23], s21  }
0xa1: {  	s6 =	ssub.s32 $0x0, s21;
	[sflag:s23] =	ssyncset.done $0x0  }
0xa2: {  	[sflag:s23] =	ssyncadd.s32 s6;
	_ =	sdelay $0x1  }
0xa3: {  	s24 =	simm.s32 $0x1B8B  }
0xa4: {  	_ =	swait.ge [sflag:s24], $0x1  }
0xa5: {  	[sflag:s24] =	ssyncset.done $0x0  }
0xa6: {  	s25 =	simm.s32 $0x1B8E;
	[sflag:s24] =	ssyncadd.s32 $0xFFFFFFFF  }
0xa7: {  	s26 =	simm.s32 $execute0_lowered;
	[smem:$0x3FD2] =	sst s25  }
0xa8: {  	s6 =	sshll.u32 s26, $0x1;
	_ =	strace $0x80000046;
	[dreg:$0x1] =	wrdreg $0xFFFFFFFF  }
0xa9: {  	s28 =	simm.s32 $_size_execute0_lowered;
	s5 =	sadd.s32 s5, s6;
	[dreg:$0x0] =	wrdreg $0x0  }
0xaa: {  	s6 =	sshll.u32 s28, $0x1;
	[dreg:$0x2] =	wrdreg s5  }
0xab: {  	[dreg:$0x3] =	wrdreg s6  }
0xac: {  	[dreg:$0x4] =	wrdreg $0xC0  }
0xad: {  	_ =	task [dreg:s9], $0x5FFFF  }
0xae: {  	[dreg:$0x1] =	wrdreg $0xFFFFFFFF  }
0xaf: {  	[dreg:$0x0] =	wrdreg $0x60  }
0xb0: {  	[dreg:$0x2] =	wrdreg s2  }
0xb1: {  	[dreg:$0x3] =	wrdreg s19  }
0xb2: {  	[dreg:$0x4] =	wrdreg s4  }
0xb3: {  	[dreg:$0x5] =	wrdreg $0x9  }
0xb4: {  	_ =	task.clear_ibuf [dreg:s9], $0x6FFFF;
	_ =	strace $0x90000046  }
0xb5: {  	s29 =	simm.s32 $0x9;
	_ =	strace $0x80000048  }
0xb6: {  	_ =	swait.ge [sflag:s29], $0x1  }
0xb7: {  	[sflag:s29] =	ssyncadd.s32 $0xFFFFFFFF  }
0xb8: {  	_ =	strace $0x90000048  }
0xb9: {  	_ =	sfence  }
0xba: {  	s30 =	sld [smem:$0x0];
	_ =	sdelay $0x2  }
0xbb: {  	s31 =	sshll.u32 s1, $0xD;
	s1 =	sshrl.u32 s1, $0x2  }
0xbc: {  	s3 =	sand.u32 $0x4000, s31;
	s1 =	sadd.s32 s1, s30  }
0xbd: {  	s0 =	sor.u32 s3, s0;
	s1 =	sshll.u32 s1, $0x11  }
0xbe: {  	s0 =	sor.u32 s1, s0  }
0xbf: {  	s0 =	sadd.s32 $0x8F2B, s0  }
0xc0: {  	[sflag:s0] =	ssyncadd.remote.s32 $0x1  }
0xc1: {  	_ =	sfence.sel $0xFFFF  }
0xc2: {  	[dreg:$0x0] =	wrdreg $0xFFFFFFFF;
	(pc) =	sbr.abs _section_cstart, $3  }
0xc3: {  	[dreg:$0x1] =	wrdreg $0xFFFFFFFF  }
0xc4: {  	_ =	task.clear_ibuf [dreg:s9], $0x2FFFF;
	_ =	strace $0x9FFFFFFF  }
0xc5: {  	(tm) =	ssettm $0x7FFFFFFF  }
tec
execute0_lowered:
.L_overlay_start_1:
0x0: {  	(tag) =	ssettag $0x1  }
0x1: {  	s3 =	rddreg [dreg:$0x0]  }
0x2: {  	s0 =	srdreg.scid;
	s1 =	rddreg [dreg:$0x1]  }
0x3: {  	s2 =	stileid.u32;
	s4 =	rddreg [dreg:$0x2]  }
0x4: {  	s30 =	simm.s32 $0x7;
	s31 =	simm.s32 $0x200;
	s0 =	sand.u32 $0x1, s0  }
0x5: {  	s10 =	simm.s32 $0x11000;
	s5 =	sshll.u32 s2, $0xD;
	s6 =	sshll.u32 s0, $0xC  }
0x6: {  	s7 =	simm.s32 $0x1;
	s29 =	simm.s32 $0x300;
	s5 =	sor.u32 s6, s5  }
0x7: {  	s2 =	simm.s32 $0x0;
	s6 =	sshrl.u32 s5, $0x3;
	s5 =	sshll.u32 s5, $0x4  }
0x8: {  	[smem:$0x7FF] =	sst s2;
	s1 =	sadd.s32 s1, s6;
	s22 =	sadd.s32 s4, s5  }
0x9: {  	_ =	strace $0x80000047;
	[dreg:$0x4] =	wrdreg s1;
	s11 =	sadd.s32 $0x1000, s22  }
0xa: {  	s8 =	simm.s32 $0x5;
	s12 =	sadd.s32 $0x2000, s22;
	[dreg:$0x5] =	wrdreg s11  }
0xb: {  	s28 =	simm.s32 $0x400;
	s13 =	sadd.s32 $0x3000, s22;
	[dreg:$0x6] =	wrdreg s12  }
0xc: {  	s9 =	simm.s32 $0x6;
	s14 =	sadd.s32 $0x4000, s22;
	[dreg:$0x7] =	wrdreg s13  }
0xd: {  	p0 =	por $0x0, $0x0;
	s15 =	sadd.s32 $0x5000, s22;
	[dreg:$0x8] =	wrdreg s14  }
0xe: {  	s0 =	ssub.s32 $0x2, s0;
	s16 =	sadd.s32 $0x6000, s22;
	[dreg:$0x9] =	wrdreg s15  }
0xf: {  	s25 =	sshrl.u32 s0, $0x1;
	s17 =	sadd.s32 $0x7000, s22;
	[dreg:$0xa] =	wrdreg s16  }
0x10: {  	s0 =	ssub.s32 s0, s25;
	s18 =	sadd.s32 $0x8000, s22;
	[dreg:$0xb] =	wrdreg s17  }
0x11: {  	s25 =	simm.s32 $0x600;
	s19 =	sadd.s32 $0x9000, s22;
	[dreg:$0xc] =	wrdreg s18  }
0x12: {  	s0 =	smax.u32 s0, $0x1;
	s20 =	sadd.s32 $0xA000, s22;
	[dreg:$0xd] =	wrdreg s19  }
0x13: {  	s6 =	simm.s32 $0x1000;
	s21 =	sadd.s32 $0xB000, s22;
	[dreg:$0xe] =	wrdreg s20  }
0x14: {  	s5 =	simm.s32 $0x4;
	s23 =	sadd.s32 $0xC000, s22;
	[dreg:$0xf] =	wrdreg s21  }
0x15: {  	s24 =	sadd.s32 $0xD000, s22;
	s26 =	sadd.s32 $0xE000, s22;
	[dreg:$0x10] =	wrdreg s23  }
0x16: {  	s4 =	sadd.s32 $0xF000, s22;
	p1 =	sne.s32 s0, $0x1;
	[dreg:$0x11] =	wrdreg s24  }
0x17: {  	s1 =	sadd.s32 $0xFFFFFFFF, s0;
	[dreg:$0x12] =	wrdreg s26;
	s12 =	simm.s32 $0x100  }
.Ltmp0:
0x18: {  	s11 =	simm.s32 $0x9000;
	s14 =	simm.s32 $0x2;
	(pc) =	sbr.rel @!p1 .LBB2_3-.Ltmp0, $4  }
0x19: {  	s13 =	simm.s32 $0x3;
	s26 =	simm.s32 $0x500;
	s24 =	simm.s32 $0x700  }
0x1a: {  	s23 =	simm.s32 $0x800;
	s21 =	simm.s32 $0x900;
	s20 =	simm.s32 $0xA00  }
0x1b: {  	s19 =	simm.s32 $0xB00;
	s18 =	simm.s32 $0xC00;
	s17 =	simm.s32 $0xD00  }
0x1c: {  	s16 =	simm.s32 $0xE00;
	s15 =	simm.s32 $0xF00;
	s0 =	rddreg [dreg:$0x4]  }
0x1d: {  	[tilespmem:s2], [sflag:$0x7] =	stream.linear.gather [hbm4b:s0+s2], $0x1000, $0x38;
	[tilespmem:$0x19000] =	vst v63  }
0x1e: {  	_ =	swait.ge [sflag:s30], $0x1000  }
0x1f: {  	[sflag:s30] =	ssyncset.done $0x0  }
0x20: {  	[sflag:s30] =	ssyncadd.s32 $0xFFFFF000  }
0x21: {  	[tilespmem:s6], [sflag:$0x1] =	stream.indirect.gather [hbm4b:s3+s12], $0x80, s2, s12, $0xb8;
	[tilespmem:$0x19000] =	vst v63  }
0x22: {  	_ = 	snop  }
0x23: {  	[tilespmem:s11], [sflag:$0x2] =	stream.indirect.gather [hbm4b:s3+s12], $0x80, s12, s12, $0xb8;
	[tilespmem:$0x19000] =	vst v63  }
0x24: {  	_ = 	snop  }
0x25: {  	[tilespmem:s10], [sflag:$0x3] =	stream.indirect.gather [hbm4b:s3+s12], $0x80, s31, s12, $0xb8;
	[tilespmem:$0x19000] =	vst v63  }
0x26: {  	_ =	swait.ge [sflag:s7], $0x8000  }
0x27: {  	[sflag:s7] =	ssyncset.done $0x0  }
0x28: {  	[sflag:s7] =	ssyncadd.s32 $0xFFFF8000  }
0x29: {  	[hbm4b:s22+s2] =	stream.linear.scatter [tilespmem:s6], [sflag:$0x4], $0x8000, $0x38;
	[tilespmem:$0x19000] =	vst v63  }
0x2a: {  	_ =	swait.ge [sflag:s5], $0x8000  }
0x2b: {  	[sflag:s5] =	ssyncset.done $0x0  }
0x2c: {  	[sflag:s5] =	ssyncadd.s32 $0xFFFF8000  }
0x2d: {  	[tilespmem:s6], [sflag:$0x1] =	stream.indirect.gather [hbm4b:s3+s12], $0x80, s29, s12, $0xb8;
	[tilespmem:$0x19000] =	vst v63  }
0x2e: {  	_ =	swait.ge [sflag:s14], $0x8000  }
0x2f: {  	[sflag:s14] =	ssyncset.done $0x0  }
0x30: {  	s0 =	rddreg [dreg:$0x5];
	[sflag:s14] =	ssyncadd.s32 $0xFFFF8000  }
0x31: {  	[hbm4b:s0+s2] =	stream.linear.scatter [tilespmem:s11], [sflag:$0x5], $0x8000, $0x38;
	[tilespmem:$0x19000] =	vst v63  }
0x32: {  	_ =	swait.ge [sflag:s8], $0x8000  }
0x33: {  	[sflag:s8] =	ssyncset.done $0x0  }
0x34: {  	[sflag:s8] =	ssyncadd.s32 $0xFFFF8000  }
0x35: {  	[tilespmem:s11], [sflag:$0x2] =	stream.indirect.gather [hbm4b:s3+s12], $0x80, s28, s12, $0xb8;
	[tilespmem:$0x19000] =	vst v63  }
0x36: {  	_ =	swait.ge [sflag:s13], $0x8000  }
0x37: {  	[sflag:s13] =	ssyncset.done $0x0  }
0x38: {  	s0 =	rddreg [dreg:$0x6];
	[sflag:s13] =	ssyncadd.s32 $0xFFFF8000  }
0x39: {  	[hbm4b:s0+s2] =	stream.linear.scatter [tilespmem:s10], [sflag:$0x6], $0x8000, $0x38;
	[tilespmem:$0x19000] =	vst v63  }
0x3a: {  	_ =	swait.ge [sflag:s9], $0x8000  }
0x3b: {  	[sflag:s9] =	ssyncset.done $0x0  }
0x3c: {  	[sflag:s9] =	ssyncadd.s32 $0xFFFF8000  }
0x3d: {  	[tilespmem:s10], [sflag:$0x3] =	stream.indirect.gather [hbm4b:s3+s12], $0x80, s26, s12, $0xb8;
	[tilespmem:$0x19000] =	vst v63  }
0x3e: {  	_ =	swait.ge [sflag:s7], $0x8000  }
0x3f: {  	[sflag:s7] =	ssyncset.done $0x0  }
0x40: {  	s0 =	rddreg [dreg:$0x7];
	[sflag:s7] =	ssyncadd.s32 $0xFFFF8000  }
0x41: {  	[hbm4b:s0+s2] =	stream.linear.scatter [tilespmem:s6], [sflag:$0x4], $0x8000, $0x38;
	[tilespmem:$0x19000] =	vst v63  }
0x42: {  	_ =	swait.ge [sflag:s5], $0x8000  }
0x43: {  	[sflag:s5] =	ssyncset.done $0x0  }
0x44: {  	[sflag:s5] =	ssyncadd.s32 $0xFFFF8000  }
0x45: {  	[tilespmem:s6], [sflag:$0x1] =	stream.indirect.gather [hbm4b:s3+s12], $0x80, s25, s12, $0xb8;
	[tilespmem:$0x19000] =	vst v63  }
0x46: {  	_ =	swait.ge [sflag:s14], $0x8000  }
0x47: {  	[sflag:s14] =	ssyncset.done $0x0  }
0x48: {  	s0 =	rddreg [dreg:$0x8];
	[sflag:s14] =	ssyncadd.s32 $0xFFFF8000  }
0x49: {  	[hbm4b:s0+s2] =	stream.linear.scatter [tilespmem:s11], [sflag:$0x5], $0x8000, $0x38;
	[tilespmem:$0x19000] =	vst v63  }
0x4a: {  	_ =	swait.ge [sflag:s8], $0x8000  }
0x4b: {  	[sflag:s8] =	ssyncset.done $0x0  }
0x4c: {  	[sflag:s8] =	ssyncadd.s32 $0xFFFF8000  }
0x4d: {  	[tilespmem:s11], [sflag:$0x2] =	stream.indirect.gather [hbm4b:s3+s12], $0x80, s24, s12, $0xb8;
	[tilespmem:$0x19000] =	vst v63  }
0x4e: {  	_ =	swait.ge [sflag:s13], $0x8000  }
0x4f: {  	[sflag:s13] =	ssyncset.done $0x0  }
0x50: {  	s0 =	rddreg [dreg:$0x9];
	[sflag:s13] =	ssyncadd.s32 $0xFFFF8000  }
0x51: {  	[hbm4b:s0+s2] =	stream.linear.scatter [tilespmem:s10], [sflag:$0x6], $0x8000, $0x38;
	[tilespmem:$0x19000] =	vst v63  }
0x52: {  	_ =	swait.ge [sflag:s9], $0x8000  }
0x53: {  	[sflag:s9] =	ssyncset.done $0x0  }
0x54: {  	[sflag:s9] =	ssyncadd.s32 $0xFFFF8000  }
0x55: {  	[tilespmem:s10], [sflag:$0x3] =	stream.indirect.gather [hbm4b:s3+s12], $0x80, s23, s12, $0xb8;
	[tilespmem:$0x19000] =	vst v63  }
0x56: {  	_ =	swait.ge [sflag:s7], $0x8000  }
0x57: {  	[sflag:s7] =	ssyncset.done $0x0  }
0x58: {  	s0 =	rddreg [dreg:$0xa];
	[sflag:s7] =	ssyncadd.s32 $0xFFFF8000  }
0x59: {  	[hbm4b:s0+s2] =	stream.linear.scatter [tilespmem:s6], [sflag:$0x4], $0x8000, $0x38;
	[tilespmem:$0x19000] =	vst v63  }
0x5a: {  	_ =	swait.ge [sflag:s5], $0x8000  }
0x5b: {  	[sflag:s5] =	ssyncset.done $0x0  }
0x5c: {  	[sflag:s5] =	ssyncadd.s32 $0xFFFF8000  }
0x5d: {  	[tilespmem:s6], [sflag:$0x1] =	stream.indirect.gather [hbm4b:s3+s12], $0x80, s21, s12, $0xb8;
	[tilespmem:$0x19000] =	vst v63  }
0x5e: {  	_ =	swait.ge [sflag:s14], $0x8000  }
0x5f: {  	[sflag:s14] =	ssyncset.done $0x0  }
0x60: {  	s0 =	rddreg [dreg:$0xb];
	[sflag:s14] =	ssyncadd.s32 $0xFFFF8000  }
0x61: {  	[hbm4b:s0+s2] =	stream.linear.scatter [tilespmem:s11], [sflag:$0x5], $0x8000, $0x38;
	[tilespmem:$0x19000] =	vst v63  }
0x62: {  	_ =	swait.ge [sflag:s8], $0x8000  }
0x63: {  	[sflag:s8] =	ssyncset.done $0x0  }
0x64: {  	[sflag:s8] =	ssyncadd.s32 $0xFFFF8000  }
0x65: {  	[tilespmem:s11], [sflag:$0x2] =	stream.indirect.gather [hbm4b:s3+s12], $0x80, s20, s12, $0xb8;
	[tilespmem:$0x19000] =	vst v63  }
0x66: {  	_ =	swait.ge [sflag:s13], $0x8000  }
0x67: {  	[sflag:s13] =	ssyncset.done $0x0  }
0x68: {  	s0 =	rddreg [dreg:$0xc];
	[sflag:s13] =	ssyncadd.s32 $0xFFFF8000  }
0x69: {  	[hbm4b:s0+s2] =	stream.linear.scatter [tilespmem:s10], [sflag:$0x6], $0x8000, $0x38;
	[tilespmem:$0x19000] =	vst v63  }
0x6a: {  	_ =	swait.ge [sflag:s9], $0x8000  }
0x6b: {  	[sflag:s9] =	ssyncset.done $0x0  }
0x6c: {  	[sflag:s9] =	ssyncadd.s32 $0xFFFF8000  }
0x6d: {  	[tilespmem:s10], [sflag:$0x3] =	stream.indirect.gather [hbm4b:s3+s12], $0x80, s19, s12, $0xb8;
	[tilespmem:$0x19000] =	vst v63  }
0x6e: {  	_ =	swait.ge [sflag:s7], $0x8000  }
0x6f: {  	[sflag:s7] =	ssyncset.done $0x0  }
0x70: {  	s0 =	rddreg [dreg:$0xd];
	[sflag:s7] =	ssyncadd.s32 $0xFFFF8000  }
0x71: {  	[hbm4b:s0+s2] =	stream.linear.scatter [tilespmem:s6], [sflag:$0x4], $0x8000, $0x38;
	[tilespmem:$0x19000] =	vst v63  }
0x72: {  	_ =	swait.ge [sflag:s5], $0x8000  }
0x73: {  	[sflag:s5] =	ssyncset.done $0x0  }
0x74: {  	[sflag:s5] =	ssyncadd.s32 $0xFFFF8000  }
0x75: {  	[tilespmem:s6], [sflag:$0x1] =	stream.indirect.gather [hbm4b:s3+s12], $0x80, s18, s12, $0xb8;
	[tilespmem:$0x19000] =	vst v63  }
0x76: {  	_ =	swait.ge [sflag:s14], $0x8000  }
0x77: {  	[sflag:s14] =	ssyncset.done $0x0  }
0x78: {  	s0 =	rddreg [dreg:$0xe];
	[sflag:s14] =	ssyncadd.s32 $0xFFFF8000  }
0x79: {  	[hbm4b:s0+s2] =	stream.linear.scatter [tilespmem:s11], [sflag:$0x5], $0x8000, $0x38;
	[tilespmem:$0x19000] =	vst v63  }
0x7a: {  	_ =	swait.ge [sflag:s8], $0x8000  }
0x7b: {  	[sflag:s8] =	ssyncset.done $0x0  }
0x7c: {  	[sflag:s8] =	ssyncadd.s32 $0xFFFF8000  }
0x7d: {  	[tilespmem:s11], [sflag:$0x2] =	stream.indirect.gather [hbm4b:s3+s12], $0x80, s17, s12, $0xb8;
	[tilespmem:$0x19000] =	vst v63  }
0x7e: {  	_ =	swait.ge [sflag:s13], $0x8000  }
0x7f: {  	[sflag:s13] =	ssyncset.done $0x0  }
0x80: {  	s0 =	rddreg [dreg:$0xf];
	[sflag:s13] =	ssyncadd.s32 $0xFFFF8000  }
0x81: {  	[hbm4b:s0+s2] =	stream.linear.scatter [tilespmem:s10], [sflag:$0x6], $0x8000, $0x38;
	[tilespmem:$0x19000] =	vst v63  }
0x82: {  	_ =	swait.ge [sflag:s9], $0x8000  }
0x83: {  	[sflag:s9] =	ssyncset.done $0x0  }
0x84: {  	[sflag:s9] =	ssyncadd.s32 $0xFFFF8000  }
0x85: {  	[tilespmem:s10], [sflag:$0x3] =	stream.indirect.gather [hbm4b:s3+s12], $0x80, s16, s12, $0xb8;
	[tilespmem:$0x19000] =	vst v63  }
0x86: {  	_ =	swait.ge [sflag:s7], $0x8000  }
0x87: {  	[sflag:s7] =	ssyncset.done $0x0  }
0x88: {  	s0 =	rddreg [dreg:$0x10];
	[sflag:s7] =	ssyncadd.s32 $0xFFFF8000  }
0x89: {  	[hbm4b:s0+s2] =	stream.linear.scatter [tilespmem:s6], [sflag:$0x4], $0x8000, $0x38;
	[tilespmem:$0x19000] =	vst v63  }
0x8a: {  	_ =	swait.ge [sflag:s5], $0x8000  }
0x8b: {  	[sflag:s5] =	ssyncset.done $0x0  }
0x8c: {  	[sflag:s5] =	ssyncadd.s32 $0xFFFF8000  }
0x8d: {  	[tilespmem:s6], [sflag:$0x1] =	stream.indirect.gather [hbm4b:s3+s12], $0x80, s15, s12, $0xb8;
	[tilespmem:$0x19000] =	vst v63  }
0x8e: {  	_ =	swait.ge [sflag:s14], $0x8000  }
0x8f: {  	[sflag:s14] =	ssyncset.done $0x0  }
0x90: {  	s0 =	rddreg [dreg:$0x11];
	[sflag:s14] =	ssyncadd.s32 $0xFFFF8000  }
0x91: {  	[hbm4b:s0+s2] =	stream.linear.scatter [tilespmem:s11], [sflag:$0x5], $0x8000, $0x38;
	[tilespmem:$0x19000] =	vst v63  }
0x92: {  	_ =	swait.ge [sflag:s13], $0x8000  }
0x93: {  	[sflag:s13] =	ssyncset.done $0x0  }
0x94: {  	s0 =	rddreg [dreg:$0x12];
	[sflag:s13] =	ssyncadd.s32 $0xFFFF8000  }
0x95: {  	[hbm4b:s0+s2] =	stream.linear.scatter [tilespmem:s10], [sflag:$0x6], $0x8000, $0x38;
	[tilespmem:$0x19000] =	vst v63  }
0x96: {  	_ =	swait.ge [sflag:s7], $0x8000  }
0x97: {  	[sflag:s7] =	ssyncset.done $0x0  }
0x98: {  	[sflag:s7] =	ssyncadd.s32 $0xFFFF8000  }
0x99: {  	[hbm4b:s4+s2] =	stream.linear.scatter [tilespmem:s6], [sflag:$0x4], $0x8000, $0x38;
	[tilespmem:$0x19000] =	vst v63  }
0x9a: {  	_ =	swait.ge [sflag:s8], $0x8000  }
0x9b: {  	[sflag:s8] =	ssyncset.done $0x0  }
0x9c: {  	p1 =	sne.s32 s1, $0x1;
	[sflag:s8] =	ssyncadd.s32 $0xFFFF8000  }
.Ltmp1:
0x9d: {  	_ =	swait.ge [sflag:s9], $0x8000;
	(pc) =	sbr.rel @!p1 .LBB2_3-.Ltmp1, $4  }
0x9e: {  	[sflag:s9] =	ssyncset.done $0x0  }
0x9f: {  	[sflag:s9] =	ssyncadd.s32 $0xFFFF8000  }
0xa0: {  	s1 =	sadd.s32 $0xFFFFFFFF, s1;
	_ =	swait.ge [sflag:s5], $0x8000  }
0xa1: {  	p0 =	por $0x1, $0x1;
	s0 =	rddreg [dreg:$0x4];
	[sflag:s5] =	ssyncset.done $0x0  }
.LBB2_2:
0xa2: {  	[sflag:s5] =	ssyncadd.s32 $0xFFFF8000  }
0xa3: {  	[tilespmem:s2], [sflag:$0x7] =	stream.linear.gather [hbm4b:s0+s2], $0x1000, $0x38;
	[tilespmem:$0x19000] =	vst v63  }
0xa4: {  	_ =	swait.ge [sflag:s30], $0x1000  }
0xa5: {  	[sflag:s30] =	ssyncset.done $0x0  }
0xa6: {  	[sflag:s30] =	ssyncadd.s32 $0xFFFFF000  }
0xa7: {  	[tilespmem:s6], [sflag:$0x1] =	stream.indirect.gather [hbm4b:s3+s12], $0x80, s2, s12, $0xb8;
	[tilespmem:$0x19000] =	vst v63  }
0xa8: {  	_ = 	snop  }
0xa9: {  	[tilespmem:s11], [sflag:$0x2] =	stream.indirect.gather [hbm4b:s3+s12], $0x80, s12, s12, $0xb8;
	[tilespmem:$0x19000] =	vst v63  }
0xaa: {  	_ = 	snop  }
0xab: {  	[tilespmem:s10], [sflag:$0x3] =	stream.indirect.gather [hbm4b:s3+s12], $0x80, s31, s12, $0xb8;
	[tilespmem:$0x19000] =	vst v63  }
0xac: {  	_ =	swait.ge [sflag:s7], $0x8000  }
0xad: {  	[sflag:s7] =	ssyncset.done $0x0  }
0xae: {  	[sflag:s7] =	ssyncadd.s32 $0xFFFF8000  }
0xaf: {  	[hbm4b:s22+s2] =	stream.linear.scatter [tilespmem:s6], [sflag:$0x4], $0x8000, $0x38;
	[tilespmem:$0x19000] =	vst v63  }
0xb0: {  	_ =	swait.ge [sflag:s5], $0x8000  }
0xb1: {  	[sflag:s5] =	ssyncset.done $0x0  }
0xb2: {  	[sflag:s5] =	ssyncadd.s32 $0xFFFF8000  }
0xb3: {  	[tilespmem:s6], [sflag:$0x1] =	stream.indirect.gather [hbm4b:s3+s12], $0x80, s29, s12, $0xb8;
	[tilespmem:$0x19000] =	vst v63  }
0xb4: {  	_ =	swait.ge [sflag:s14], $0x8000  }
0xb5: {  	[sflag:s14] =	ssyncset.done $0x0  }
0xb6: {  	s0 =	rddreg [dreg:$0x5];
	[sflag:s14] =	ssyncadd.s32 $0xFFFF8000  }
0xb7: {  	[hbm4b:s0+s2] =	stream.linear.scatter [tilespmem:s11], [sflag:$0x5], $0x8000, $0x38;
	[tilespmem:$0x19000] =	vst v63  }
0xb8: {  	_ =	swait.ge [sflag:s8], $0x8000  }
0xb9: {  	[sflag:s8] =	ssyncset.done $0x0  }
0xba: {  	[sflag:s8] =	ssyncadd.s32 $0xFFFF8000  }
0xbb: {  	[tilespmem:s11], [sflag:$0x2] =	stream.indirect.gather [hbm4b:s3+s12], $0x80, s28, s12, $0xb8;
	[tilespmem:$0x19000] =	vst v63  }
0xbc: {  	_ =	swait.ge [sflag:s13], $0x8000  }
0xbd: {  	[sflag:s13] =	ssyncset.done $0x0  }
0xbe: {  	s0 =	rddreg [dreg:$0x6];
	[sflag:s13] =	ssyncadd.s32 $0xFFFF8000  }
0xbf: {  	[hbm4b:s0+s2] =	stream.linear.scatter [tilespmem:s10], [sflag:$0x6], $0x8000, $0x38;
	[tilespmem:$0x19000] =	vst v63  }
0xc0: {  	_ =	swait.ge [sflag:s9], $0x8000  }
0xc1: {  	[sflag:s9] =	ssyncset.done $0x0  }
0xc2: {  	[sflag:s9] =	ssyncadd.s32 $0xFFFF8000  }
0xc3: {  	[tilespmem:s10], [sflag:$0x3] =	stream.indirect.gather [hbm4b:s3+s12], $0x80, s26, s12, $0xb8;
	[tilespmem:$0x19000] =	vst v63  }
0xc4: {  	_ =	swait.ge [sflag:s7], $0x8000  }
0xc5: {  	[sflag:s7] =	ssyncset.done $0x0  }
0xc6: {  	s0 =	rddreg [dreg:$0x7];
	[sflag:s7] =	ssyncadd.s32 $0xFFFF8000  }
0xc7: {  	[hbm4b:s0+s2] =	stream.linear.scatter [tilespmem:s6], [sflag:$0x4], $0x8000, $0x38;
	[tilespmem:$0x19000] =	vst v63  }
0xc8: {  	_ =	swait.ge [sflag:s5], $0x8000  }
0xc9: {  	[sflag:s5] =	ssyncset.done $0x0  }
0xca: {  	[sflag:s5] =	ssyncadd.s32 $0xFFFF8000  }
0xcb: {  	[tilespmem:s6], [sflag:$0x1] =	stream.indirect.gather [hbm4b:s3+s12], $0x80, s25, s12, $0xb8;
	[tilespmem:$0x19000] =	vst v63  }
0xcc: {  	_ =	swait.ge [sflag:s14], $0x8000  }
0xcd: {  	[sflag:s14] =	ssyncset.done $0x0  }
0xce: {  	s0 =	rddreg [dreg:$0x8];
	[sflag:s14] =	ssyncadd.s32 $0xFFFF8000  }
0xcf: {  	[hbm4b:s0+s2] =	stream.linear.scatter [tilespmem:s11], [sflag:$0x5], $0x8000, $0x38;
	[tilespmem:$0x19000] =	vst v63  }
0xd0: {  	_ =	swait.ge [sflag:s8], $0x8000  }
0xd1: {  	[sflag:s8] =	ssyncset.done $0x0  }
0xd2: {  	[sflag:s8] =	ssyncadd.s32 $0xFFFF8000  }
0xd3: {  	[tilespmem:s11], [sflag:$0x2] =	stream.indirect.gather [hbm4b:s3+s12], $0x80, s24, s12, $0xb8;
	[tilespmem:$0x19000] =	vst v63  }
0xd4: {  	_ =	swait.ge [sflag:s13], $0x8000  }
0xd5: {  	[sflag:s13] =	ssyncset.done $0x0  }
0xd6: {  	s0 =	rddreg [dreg:$0x9];
	[sflag:s13] =	ssyncadd.s32 $0xFFFF8000  }
0xd7: {  	[hbm4b:s0+s2] =	stream.linear.scatter [tilespmem:s10], [sflag:$0x6], $0x8000, $0x38;
	[tilespmem:$0x19000] =	vst v63  }
0xd8: {  	_ =	swait.ge [sflag:s9], $0x8000  }
0xd9: {  	[sflag:s9] =	ssyncset.done $0x0  }
0xda: {  	[sflag:s9] =	ssyncadd.s32 $0xFFFF8000  }
0xdb: {  	[tilespmem:s10], [sflag:$0x3] =	stream.indirect.gather [hbm4b:s3+s12], $0x80, s23, s12, $0xb8;
	[tilespmem:$0x19000] =	vst v63  }
0xdc: {  	_ =	swait.ge [sflag:s7], $0x8000  }
0xdd: {  	[sflag:s7] =	ssyncset.done $0x0  }
0xde: {  	s0 =	rddreg [dreg:$0xa];
	[sflag:s7] =	ssyncadd.s32 $0xFFFF8000  }
0xdf: {  	[hbm4b:s0+s2] =	stream.linear.scatter [tilespmem:s6], [sflag:$0x4], $0x8000, $0x38;
	[tilespmem:$0x19000] =	vst v63  }
0xe0: {  	_ =	swait.ge [sflag:s5], $0x8000  }
0xe1: {  	[sflag:s5] =	ssyncset.done $0x0  }
0xe2: {  	[sflag:s5] =	ssyncadd.s32 $0xFFFF8000  }
0xe3: {  	[tilespmem:s6], [sflag:$0x1] =	stream.indirect.gather [hbm4b:s3+s12], $0x80, s21, s12, $0xb8;
	[tilespmem:$0x19000] =	vst v63  }
0xe4: {  	_ =	swait.ge [sflag:s14], $0x8000  }
0xe5: {  	[sflag:s14] =	ssyncset.done $0x0  }
0xe6: {  	s0 =	rddreg [dreg:$0xb];
	[sflag:s14] =	ssyncadd.s32 $0xFFFF8000  }
0xe7: {  	[hbm4b:s0+s2] =	stream.linear.scatter [tilespmem:s11], [sflag:$0x5], $0x8000, $0x38;
	[tilespmem:$0x19000] =	vst v63  }
0xe8: {  	_ =	swait.ge [sflag:s8], $0x8000  }
0xe9: {  	[sflag:s8] =	ssyncset.done $0x0  }
0xea: {  	[sflag:s8] =	ssyncadd.s32 $0xFFFF8000  }
0xeb: {  	[tilespmem:s11], [sflag:$0x2] =	stream.indirect.gather [hbm4b:s3+s12], $0x80, s20, s12, $0xb8;
	[tilespmem:$0x19000] =	vst v63  }
0xec: {  	_ =	swait.ge [sflag:s13], $0x8000  }
0xed: {  	[sflag:s13] =	ssyncset.done $0x0  }
0xee: {  	s0 =	rddreg [dreg:$0xc];
	[sflag:s13] =	ssyncadd.s32 $0xFFFF8000  }
0xef: {  	[hbm4b:s0+s2] =	stream.linear.scatter [tilespmem:s10], [sflag:$0x6], $0x8000, $0x38;
	[tilespmem:$0x19000] =	vst v63  }
0xf0: {  	_ =	swait.ge [sflag:s9], $0x8000  }
0xf1: {  	[sflag:s9] =	ssyncset.done $0x0  }
0xf2: {  	[sflag:s9] =	ssyncadd.s32 $0xFFFF8000  }
0xf3: {  	[tilespmem:s10], [sflag:$0x3] =	stream.indirect.gather [hbm4b:s3+s12], $0x80, s19, s12, $0xb8;
	[tilespmem:$0x19000] =	vst v63  }
0xf4: {  	_ =	swait.ge [sflag:s7], $0x8000  }
0xf5: {  	[sflag:s7] =	ssyncset.done $0x0  }
0xf6: {  	s0 =	rddreg [dreg:$0xd];
	[sflag:s7] =	ssyncadd.s32 $0xFFFF8000  }
0xf7: {  	[hbm4b:s0+s2] =	stream.linear.scatter [tilespmem:s6], [sflag:$0x4], $0x8000, $0x38;
	[tilespmem:$0x19000] =	vst v63  }
0xf8: {  	_ =	swait.ge [sflag:s5], $0x8000  }
0xf9: {  	[sflag:s5] =	ssyncset.done $0x0  }
0xfa: {  	[sflag:s5] =	ssyncadd.s32 $0xFFFF8000  }
0xfb: {  	[tilespmem:s6], [sflag:$0x1] =	stream.indirect.gather [hbm4b:s3+s12], $0x80, s18, s12, $0xb8;
	[tilespmem:$0x19000] =	vst v63  }
0xfc: {  	_ =	swait.ge [sflag:s14], $0x8000  }
0xfd: {  	[sflag:s14] =	ssyncset.done $0x0  }
0xfe: {  	s0 =	rddreg [dreg:$0xe];
	[sflag:s14] =	ssyncadd.s32 $0xFFFF8000  }
0xff: {  	[hbm4b:s0+s2] =	stream.linear.scatter [tilespmem:s11], [sflag:$0x5], $0x8000, $0x38;
	[tilespmem:$0x19000] =	vst v63  }
0x100: {  	_ =	swait.ge [sflag:s8], $0x8000  }
0x101: {  	[sflag:s8] =	ssyncset.done $0x0  }
0x102: {  	[sflag:s8] =	ssyncadd.s32 $0xFFFF8000  }
0x103: {  	[tilespmem:s11], [sflag:$0x2] =	stream.indirect.gather [hbm4b:s3+s12], $0x80, s17, s12, $0xb8;
	[tilespmem:$0x19000] =	vst v63  }
0x104: {  	_ =	swait.ge [sflag:s13], $0x8000  }
0x105: {  	[sflag:s13] =	ssyncset.done $0x0  }
0x106: {  	s0 =	rddreg [dreg:$0xf];
	[sflag:s13] =	ssyncadd.s32 $0xFFFF8000  }
0x107: {  	[hbm4b:s0+s2] =	stream.linear.scatter [tilespmem:s10], [sflag:$0x6], $0x8000, $0x38;
	[tilespmem:$0x19000] =	vst v63  }
0x108: {  	_ =	swait.ge [sflag:s9], $0x8000  }
0x109: {  	[sflag:s9] =	ssyncset.done $0x0  }
0x10a: {  	[sflag:s9] =	ssyncadd.s32 $0xFFFF8000  }
0x10b: {  	[tilespmem:s10], [sflag:$0x3] =	stream.indirect.gather [hbm4b:s3+s12], $0x80, s16, s12, $0xb8;
	[tilespmem:$0x19000] =	vst v63  }
0x10c: {  	_ =	swait.ge [sflag:s7], $0x8000  }
0x10d: {  	[sflag:s7] =	ssyncset.done $0x0  }
0x10e: {  	s0 =	rddreg [dreg:$0x10];
	[sflag:s7] =	ssyncadd.s32 $0xFFFF8000  }
0x10f: {  	[hbm4b:s0+s2] =	stream.linear.scatter [tilespmem:s6], [sflag:$0x4], $0x8000, $0x38;
	[tilespmem:$0x19000] =	vst v63  }
0x110: {  	_ =	swait.ge [sflag:s5], $0x8000  }
0x111: {  	[sflag:s5] =	ssyncset.done $0x0  }
0x112: {  	[sflag:s5] =	ssyncadd.s32 $0xFFFF8000  }
0x113: {  	[tilespmem:s6], [sflag:$0x1] =	stream.indirect.gather [hbm4b:s3+s12], $0x80, s15, s12, $0xb8;
	[tilespmem:$0x19000] =	vst v63  }
0x114: {  	_ =	swait.ge [sflag:s14], $0x8000  }
0x115: {  	[sflag:s14] =	ssyncset.done $0x0  }
0x116: {  	s0 =	rddreg [dreg:$0x11];
	[sflag:s14] =	ssyncadd.s32 $0xFFFF8000  }
0x117: {  	[hbm4b:s0+s2] =	stream.linear.scatter [tilespmem:s11], [sflag:$0x5], $0x8000, $0x38;
	[tilespmem:$0x19000] =	vst v63  }
0x118: {  	_ =	swait.ge [sflag:s13], $0x8000  }
0x119: {  	[sflag:s13] =	ssyncset.done $0x0  }
0x11a: {  	s0 =	rddreg [dreg:$0x12];
	[sflag:s13] =	ssyncadd.s32 $0xFFFF8000  }
0x11b: {  	[hbm4b:s0+s2] =	stream.linear.scatter [tilespmem:s10], [sflag:$0x6], $0x8000, $0x38;
	[tilespmem:$0x19000] =	vst v63  }
0x11c: {  	_ =	swait.ge [sflag:s7], $0x8000  }
0x11d: {  	[sflag:s7] =	ssyncset.done $0x0  }
0x11e: {  	[sflag:s7] =	ssyncadd.s32 $0xFFFF8000  }
0x11f: {  	[hbm4b:s4+s2] =	stream.linear.scatter [tilespmem:s6], [sflag:$0x4], $0x8000, $0x38;
	[tilespmem:$0x19000] =	vst v63  }
0x120: {  	_ =	swait.ge [sflag:s8], $0x8000  }
0x121: {  	[sflag:s8] =	ssyncset.done $0x0  }
0x122: {  	p1 =	sne.s32 s1, $0x1;
	[sflag:s8] =	ssyncadd.s32 $0xFFFF8000  }
.Ltmp2:
0x123: {  	_ =	swait.ge [sflag:s9], $0x8000;
	(pc) =	sbr.rel @p1 .LBB2_2-.Ltmp2, $4  }
0x124: {  	[sflag:s9] =	ssyncset.done $0x0  }
0x125: {  	[sflag:s9] =	ssyncadd.s32 $0xFFFF8000  }
0x126: {  	_ =	swait.ge [sflag:s5], $0x8000  }
0x127: {  	s1 =	sadd.s32 $0xFFFFFFFF, s1;
	s0 =	rddreg [dreg:$0x4];
	[sflag:s5] =	ssyncset.done $0x0  }
.LBB2_3:
0x128: {  	[sflag:s5] =	ssyncadd.s32 @p0 $0xFFFF8000  }
0x129: {  	[tilespmem:s2], [sflag:$0x7] =	stream.linear.gather [hbm4b:s0+s2], $0x1000, $0x38;
	[tilespmem:$0x19000] =	vst v63  }
0x12a: {  	_ =	swait.ge [sflag:s30], $0x1000  }
0x12b: {  	[sflag:s30] =	ssyncset.done $0x0  }
0x12c: {  	[sflag:s30] =	ssyncadd.s32 $0xFFFFF000  }
0x12d: {  	[tilespmem:s6], [sflag:$0x1] =	stream.indirect.gather [hbm4b:s3+s12], $0x80, s2, s12, $0xb8;
	[tilespmem:$0x19000] =	vst v63  }
0x12e: {  	_ = 	snop  }
0x12f: {  	[tilespmem:s11], [sflag:$0x2] =	stream.indirect.gather [hbm4b:s3+s12], $0x80, s12, s12, $0xb8;
	[tilespmem:$0x19000] =	vst v63  }
0x130: {  	_ = 	snop  }
0x131: {  	[tilespmem:s10], [sflag:$0x3] =	stream.indirect.gather [hbm4b:s3+s12], $0x80, s31, s12, $0xb8;
	[tilespmem:$0x19000] =	vst v63  }
0x132: {  	_ =	swait.ge [sflag:s7], $0x8000  }
0x133: {  	[sflag:s7] =	ssyncset.done $0x0  }
0x134: {  	[sflag:s7] =	ssyncadd.s32 $0xFFFF8000  }
0x135: {  	[hbm4b:s22+s2] =	stream.linear.scatter [tilespmem:s6], [sflag:$0x4], $0x8000, $0x38;
	[tilespmem:$0x19000] =	vst v63  }
0x136: {  	_ =	swait.ge [sflag:s5], $0x8000  }
0x137: {  	[sflag:s5] =	ssyncset.done $0x0  }
0x138: {  	[sflag:s5] =	ssyncadd.s32 $0xFFFF8000  }
0x139: {  	[tilespmem:s6], [sflag:$0x1] =	stream.indirect.gather [hbm4b:s3+s12], $0x80, s29, s12, $0xb8;
	[tilespmem:$0x19000] =	vst v63  }
0x13a: {  	_ =	swait.ge [sflag:s14], $0x8000  }
0x13b: {  	[sflag:s14] =	ssyncset.done $0x0  }
0x13c: {  	s22 =	rddreg [dreg:$0x5];
	[sflag:s14] =	ssyncadd.s32 $0xFFFF8000  }
0x13d: {  	[hbm4b:s22+s2] =	stream.linear.scatter [tilespmem:s11], [sflag:$0x5], $0x8000, $0x38;
	[tilespmem:$0x19000] =	vst v63  }
0x13e: {  	_ =	swait.ge [sflag:s8], $0x8000  }
0x13f: {  	[sflag:s8] =	ssyncset.done $0x0  }
0x140: {  	[sflag:s8] =	ssyncadd.s32 $0xFFFF8000  }
0x141: {  	[tilespmem:s11], [sflag:$0x2] =	stream.indirect.gather [hbm4b:s3+s12], $0x80, s28, s12, $0xb8;
	[tilespmem:$0x19000] =	vst v63  }
0x142: {  	_ =	swait.ge [sflag:s13], $0x8000  }
0x143: {  	[sflag:s13] =	ssyncset.done $0x0  }
0x144: {  	s28 =	rddreg [dreg:$0x6];
	[sflag:s13] =	ssyncadd.s32 $0xFFFF8000  }
0x145: {  	[hbm4b:s28+s2] =	stream.linear.scatter [tilespmem:s10], [sflag:$0x6], $0x8000, $0x38;
	[tilespmem:$0x19000] =	vst v63  }
0x146: {  	_ =	swait.ge [sflag:s9], $0x8000  }
0x147: {  	[sflag:s9] =	ssyncset.done $0x0  }
0x148: {  	[sflag:s9] =	ssyncadd.s32 $0xFFFF8000  }
0x149: {  	[tilespmem:s10], [sflag:$0x3] =	stream.indirect.gather [hbm4b:s3+s12], $0x80, s26, s12, $0xb8;
	[tilespmem:$0x19000] =	vst v63  }
0x14a: {  	_ =	swait.ge [sflag:s7], $0x8000  }
0x14b: {  	[sflag:s7] =	ssyncset.done $0x0  }
0x14c: {  	s29 =	rddreg [dreg:$0x7];
	[sflag:s7] =	ssyncadd.s32 $0xFFFF8000  }
0x14d: {  	[hbm4b:s29+s2] =	stream.linear.scatter [tilespmem:s6], [sflag:$0x4], $0x8000, $0x38;
	[tilespmem:$0x19000] =	vst v63  }
0x14e: {  	_ =	swait.ge [sflag:s5], $0x8000  }
0x14f: {  	[sflag:s5] =	ssyncset.done $0x0  }
0x150: {  	[sflag:s5] =	ssyncadd.s32 $0xFFFF8000  }
0x151: {  	[tilespmem:s6], [sflag:$0x1] =	stream.indirect.gather [hbm4b:s3+s12], $0x80, s25, s12, $0xb8;
	[tilespmem:$0x19000] =	vst v63  }
0x152: {  	_ =	swait.ge [sflag:s14], $0x8000  }
0x153: {  	[sflag:s14] =	ssyncset.done $0x0  }
0x154: {  	s30 =	rddreg [dreg:$0x8];
	[sflag:s14] =	ssyncadd.s32 $0xFFFF8000  }
0x155: {  	[hbm4b:s30+s2] =	stream.linear.scatter [tilespmem:s11], [sflag:$0x5], $0x8000, $0x38;
	[tilespmem:$0x19000] =	vst v63  }
0x156: {  	_ =	swait.ge [sflag:s8], $0x8000  }
0x157: {  	[sflag:s8] =	ssyncset.done $0x0  }
0x158: {  	[sflag:s8] =	ssyncadd.s32 $0xFFFF8000  }
0x159: {  	[tilespmem:s11], [sflag:$0x2] =	stream.indirect.gather [hbm4b:s3+s12], $0x80, s24, s12, $0xb8;
	[tilespmem:$0x19000] =	vst v63  }
0x15a: {  	_ =	swait.ge [sflag:s13], $0x8000  }
0x15b: {  	[sflag:s13] =	ssyncset.done $0x0  }
0x15c: {  	s31 =	rddreg [dreg:$0x9];
	[sflag:s13] =	ssyncadd.s32 $0xFFFF8000  }
0x15d: {  	[hbm4b:s31+s2] =	stream.linear.scatter [tilespmem:s10], [sflag:$0x6], $0x8000, $0x38;
	[tilespmem:$0x19000] =	vst v63  }
0x15e: {  	_ =	swait.ge [sflag:s9], $0x8000  }
0x15f: {  	[sflag:s9] =	ssyncset.done $0x0  }
0x160: {  	[sflag:s9] =	ssyncadd.s32 $0xFFFF8000  }
0x161: {  	[tilespmem:s10], [sflag:$0x3] =	stream.indirect.gather [hbm4b:s3+s12], $0x80, s23, s12, $0xb8;
	[tilespmem:$0x19000] =	vst v63  }
0x162: {  	_ =	swait.ge [sflag:s7], $0x8000  }
0x163: {  	[sflag:s7] =	ssyncset.done $0x0  }
0x164: {  	s1 =	rddreg [dreg:$0xa];
	[sflag:s7] =	ssyncadd.s32 $0xFFFF8000  }
0x165: {  	[hbm4b:s1+s2] =	stream.linear.scatter [tilespmem:s6], [sflag:$0x4], $0x8000, $0x38;
	[tilespmem:$0x19000] =	vst v63  }
0x166: {  	_ =	swait.ge [sflag:s5], $0x8000  }
0x167: {  	[sflag:s5] =	ssyncset.done $0x0  }
0x168: {  	[sflag:s5] =	ssyncadd.s32 $0xFFFF8000  }
0x169: {  	[tilespmem:s6], [sflag:$0x1] =	stream.indirect.gather [hbm4b:s3+s12], $0x80, s21, s12, $0xb8;
	[tilespmem:$0x19000] =	vst v63  }
0x16a: {  	_ =	swait.ge [sflag:s14], $0x8000  }
0x16b: {  	[sflag:s14] =	ssyncset.done $0x0  }
0x16c: {  	s22 =	rddreg [dreg:$0xb];
	[sflag:s14] =	ssyncadd.s32 $0xFFFF8000  }
0x16d: {  	[hbm4b:s22+s2] =	stream.linear.scatter [tilespmem:s11], [sflag:$0x5], $0x8000, $0x38;
	[tilespmem:$0x19000] =	vst v63  }
0x16e: {  	_ =	swait.ge [sflag:s8], $0x8000  }
0x16f: {  	[sflag:s8] =	ssyncset.done $0x0  }
0x170: {  	[sflag:s8] =	ssyncadd.s32 $0xFFFF8000  }
0x171: {  	[tilespmem:s11], [sflag:$0x2] =	stream.indirect.gather [hbm4b:s3+s12], $0x80, s20, s12, $0xb8;
	[tilespmem:$0x19000] =	vst v63  }
0x172: {  	_ =	swait.ge [sflag:s13], $0x8000  }
0x173: {  	[sflag:s13] =	ssyncset.done $0x0  }
0x174: {  	s23 =	rddreg [dreg:$0xc];
	[sflag:s13] =	ssyncadd.s32 $0xFFFF8000  }
0x175: {  	[hbm4b:s23+s2] =	stream.linear.scatter [tilespmem:s10], [sflag:$0x6], $0x8000, $0x38;
	[tilespmem:$0x19000] =	vst v63  }
0x176: {  	_ =	swait.ge [sflag:s9], $0x8000  }
0x177: {  	[sflag:s9] =	ssyncset.done $0x0  }
0x178: {  	[sflag:s9] =	ssyncadd.s32 $0xFFFF8000  }
0x179: {  	[tilespmem:s10], [sflag:$0x3] =	stream.indirect.gather [hbm4b:s3+s12], $0x80, s19, s12, $0xb8;
	[tilespmem:$0x19000] =	vst v63  }
0x17a: {  	_ =	swait.ge [sflag:s7], $0x8000  }
0x17b: {  	[sflag:s7] =	ssyncset.done $0x0  }
0x17c: {  	s24 =	rddreg [dreg:$0xd];
	[sflag:s7] =	ssyncadd.s32 $0xFFFF8000  }
0x17d: {  	[hbm4b:s24+s2] =	stream.linear.scatter [tilespmem:s6], [sflag:$0x4], $0x8000, $0x38;
	[tilespmem:$0x19000] =	vst v63  }
0x17e: {  	_ =	swait.ge [sflag:s5], $0x8000  }
0x17f: {  	[sflag:s5] =	ssyncset.done $0x0  }
0x180: {  	[sflag:s5] =	ssyncadd.s32 $0xFFFF8000  }
0x181: {  	[tilespmem:s6], [sflag:$0x1] =	stream.indirect.gather [hbm4b:s3+s12], $0x80, s18, s12, $0xb8;
	[tilespmem:$0x19000] =	vst v63  }
0x182: {  	_ =	swait.ge [sflag:s14], $0x8000  }
0x183: {  	[sflag:s14] =	ssyncset.done $0x0  }
0x184: {  	s25 =	rddreg [dreg:$0xe];
	[sflag:s14] =	ssyncadd.s32 $0xFFFF8000  }
0x185: {  	[hbm4b:s25+s2] =	stream.linear.scatter [tilespmem:s11], [sflag:$0x5], $0x8000, $0x38;
	[tilespmem:$0x19000] =	vst v63  }
0x186: {  	_ =	swait.ge [sflag:s8], $0x8000  }
0x187: {  	[sflag:s8] =	ssyncset.done $0x0  }
0x188: {  	[sflag:s8] =	ssyncadd.s32 $0xFFFF8000  }
0x189: {  	[tilespmem:s11], [sflag:$0x2] =	stream.indirect.gather [hbm4b:s3+s12], $0x80, s17, s12, $0xb8;
	[tilespmem:$0x19000] =	vst v63  }
0x18a: {  	_ =	swait.ge [sflag:s13], $0x8000  }
0x18b: {  	[sflag:s13] =	ssyncset.done $0x0  }
0x18c: {  	s26 =	rddreg [dreg:$0xf];
	[sflag:s13] =	ssyncadd.s32 $0xFFFF8000  }
0x18d: {  	[hbm4b:s26+s2] =	stream.linear.scatter [tilespmem:s10], [sflag:$0x6], $0x8000, $0x38;
	[tilespmem:$0x19000] =	vst v63  }
0x18e: {  	_ =	swait.ge [sflag:s9], $0x8000  }
0x18f: {  	[sflag:s9] =	ssyncset.done $0x0  }
0x190: {  	[sflag:s9] =	ssyncadd.s32 $0xFFFF8000  }
0x191: {  	[tilespmem:s10], [sflag:$0x3] =	stream.indirect.gather [hbm4b:s3+s12], $0x80, s16, s12, $0xb8;
	[tilespmem:$0x19000] =	vst v63  }
0x192: {  	_ =	swait.ge [sflag:s7], $0x8000  }
0x193: {  	[sflag:s7] =	ssyncset.done $0x0  }
0x194: {  	s28 =	rddreg [dreg:$0x10];
	[sflag:s7] =	ssyncadd.s32 $0xFFFF8000  }
0x195: {  	[hbm4b:s28+s2] =	stream.linear.scatter [tilespmem:s6], [sflag:$0x4], $0x8000, $0x38;
	[tilespmem:$0x19000] =	vst v63  }
0x196: {  	_ =	swait.ge [sflag:s5], $0x8000  }
0x197: {  	[sflag:s5] =	ssyncset.done $0x0  }
0x198: {  	[sflag:s5] =	ssyncadd.s32 $0xFFFF8000  }
0x199: {  	[tilespmem:s6], [sflag:$0x1] =	stream.indirect.gather [hbm4b:s3+s12], $0x80, s15, s12, $0xb8;
	[tilespmem:$0x19000] =	vst v63  }
0x19a: {  	_ =	swait.ge [sflag:s14], $0x8000  }
0x19b: {  	[sflag:s14] =	ssyncset.done $0x0  }
0x19c: {  	s29 =	rddreg [dreg:$0x11];
	[sflag:s14] =	ssyncadd.s32 $0xFFFF8000  }
0x19d: {  	[hbm4b:s29+s2] =	stream.linear.scatter [tilespmem:s11], [sflag:$0x5], $0x8000, $0x38;
	[tilespmem:$0x19000] =	vst v63  }
0x19e: {  	_ =	swait.ge [sflag:s13], $0x8000  }
0x19f: {  	[sflag:s13] =	ssyncset.done $0x0  }
0x1a0: {  	s30 =	rddreg [dreg:$0x12];
	[sflag:s13] =	ssyncadd.s32 $0xFFFF8000  }
0x1a1: {  	[hbm4b:s30+s2] =	stream.linear.scatter [tilespmem:s10], [sflag:$0x6], $0x8000, $0x38;
	[tilespmem:$0x19000] =	vst v63  }
0x1a2: {  	_ =	swait.ge [sflag:s7], $0x8000  }
0x1a3: {  	[sflag:s7] =	ssyncset.done $0x0  }
0x1a4: {  	[sflag:s7] =	ssyncadd.s32 $0xFFFF8000  }
0x1a5: {  	[hbm4b:s4+s2] =	stream.linear.scatter [tilespmem:s6], [sflag:$0x4], $0x8000, $0x38;
	[tilespmem:$0x19000] =	vst v63  }
0x1a6: {  	_ =	swait.ge [sflag:s8], $0x8000  }
0x1a7: {  	[sflag:s8] =	ssyncset.done $0x0  }
0x1a8: {  	[sflag:s8] =	ssyncadd.s32 $0xFFFF8000  }
0x1a9: {  	_ =	swait.ge [sflag:s9], $0x8000  }
0x1aa: {  	[sflag:s9] =	ssyncset.done $0x0  }
0x1ab: {  	[sflag:s9] =	ssyncadd.s32 $0xFFFF8000  }
0x1ac: {  	_ =	swait.ge [sflag:s5], $0x8000  }
0x1ad: {  	[sflag:s5] =	ssyncset.done $0x0  }
0x1ae: {  	[sflag:s5] =	ssyncadd.s32 $0xFFFF8000  }
0x1af: {  	_ =	sfence.sel $0x180000  }
0x1b0: {  	[bflag:$0x0] =	sbarrier.arrive $0xFFFF  }
0x1b1: {  	_ =	strace $0x90000047  }
0x1b2: {  	s31 =	stileid.u32;
	[bflag:$0x2] =	sbarrier.arrive $0xFFFF  }
0x1b3: {  	p0 =	sne.s32 s31, $0x0;
	s0 =	rddreg [dreg:$0x3]  }
0x1b4: {  	s0 =	sadd.s32 @!p0 $0x100000, s0  }
0x1b5: {  	[sflag:s0] =	ssyncadd.tile.s32 @!p0 $0x1;
	_ =	shalt  }
.Lfunc_end2:
_tile_overlayer_lowered:
.L_overlay_start_2:
0x1b6: {  	(tag) =	ssettag $0x2  }
0x1b7: {  	s0 =	rddreg [dreg:$0x0];
	s2 =	stileid.u32  }
0x1b8: {  	s1 =	rddreg [dreg:$0x1];
	p0 =	sne.s32 s2, $0x0  }
0x1b9: {  	s3 =	rddreg [dreg:$0x2];
	[bflag:$0x3] =	sbarrier.arrive $0xFFFF;
	s2 =	simm.s32 @!p0 $0x1C07  }
0x1ba: {  	[timem:s3], [sflag:s2] =	dma.local @!p0 [hbm:s0], s1  }
0x1bb: {  	s0 =	simm.s32 @!p0 $0x7  }
0x1bc: {  	_ =	swait.ge @!p0 [sflag:s0], s1  }
0x1bd: {  	s1 =	ssub.s32 @!p0 $0x0, s1;
	[sflag:s0] =	ssyncset.done @!p0 $0x0  }
0x1be: {  	[sflag:s0] =	ssyncadd.s32 @!p0 s1  }
0x1bf: {  	[bflag:$0x3] =	sbarrier.arrive $0xFFFF  }
0x1c0: {  	_ =	shalt  }

</sc_bundles>
